<compile_context>
chip_gen: v7x
topology: tpu7x:2x2x1
jax: 0.10.2.dev20260603
libtpu: 0.0.44.dev20260713+nightly
codegen_flags: <defaults>
</compile_context>

<pallas_src>
import functools

import jax
import jax.numpy as jnp
from jax import lax
from jax.experimental import pallas as pl
from jax.experimental.pallas import tpu as pltpu
from jax.experimental.pallas import tpu_sc as plsc

L = 16
NUM_CORES = 2
NUM_SUBCORES = 16
NW = NUM_CORES * NUM_SUBCORES
B = 2
S = 8192
HD2 = 64
D_PER_W = HD2 * B // NW

_mesh = plsc.VectorSubcoreMesh(core_axis_name="c", subcore_axis_name="s")


UNROLL = 4
QUARTERS = 4
S_Q = S // QUARTERS


@functools.partial(
    pl.kernel,
    mesh=_mesh,
    out_type=jax.ShapeDtypeStruct((B, HD2, S), jnp.float32),
    scratch_types=[
        pltpu.VMEM((S,), jnp.int32),
        pltpu.VMEM((2 * HD2,), jnp.float32),
        pltpu.VMEM((D_PER_W, S), jnp.float32),
        pltpu.SemaphoreType.DMA,
        pltpu.SemaphoreType.DMA,
        pltpu.SemaphoreType.DMA,
    ],
)
def _rope_theta_sc(pos_hbm, invf_hbm, out_hbm, pos_v, invf_v, out_v,
                   in_sem, invf_sem, out_sem):
    wid = lax.axis_index("s") * NUM_CORES + lax.axis_index("c")
    b = wid // NUM_SUBCORES
    wd = wid % NUM_SUBCORES
    d0 = wd * D_PER_W
    h_invf = pltpu.async_copy(invf_hbm, invf_v.at[pl.ds(0, HD2)], invf_sem)
    h_pos = pltpu.async_copy(pos_hbm.at[b], pos_v, in_sem)
    h_invf.wait()
    fvr = invf_v[pl.ds(d0, L)]
    fs = [fvr[dd] for dd in range(D_PER_W)]
    h_pos.wait()

    out_handles = []
    for q in range(QUARTERS):
        @plsc.parallel_loop(q * S_Q, (q + 1) * S_Q, step=L, unroll=UNROLL)
        def body(row):
            pf = pos_v[pl.ds(row, L)].astype(jnp.float32)
            for dd in range(D_PER_W):
                out_v[dd, pl.ds(row, L)] = pf * fs[dd]

        out_handles.append(pltpu.async_copy(
            out_v.at[:, pl.ds(q * S_Q, S_Q)],
            out_hbm.at[b, pl.ds(d0, D_PER_W), pl.ds(q * S_Q, S_Q)],
            out_sem))
    for h in out_handles:
        h.wait()


def kernel(position_ids, inv_freq):
    out_t = _rope_theta_sc(position_ids.astype(jnp.int32), inv_freq)
    return jnp.swapaxes(out_t, 1, 2)

# --- scband reference (transcript-rebuilt; emitter-appended) ---
"""Pipeline reference for scband-text-rotary-embedding-71416716198099 (READ-ONLY COPY).

The authoritative reference and input builder live on the scoring server;
editing this copy changes nothing except your own understanding.
"""

import jax, jax.numpy as jnp
import numpy as np

HEAD_DIM = 128
MAX_POS = 8192
ATTENTION_SCALING = 1.0


def setup_inputs(seed: int = 0) -> dict:
    key = jax.random.key(seed)
    position_ids = jax.random.randint(key, (2, 8192), 0, MAX_POS)
    inv_freq = 1.0 / (10000.0 ** (jnp.arange(0, HEAD_DIM, 2, dtype=jnp.float32) / HEAD_DIM))
    return {"position_ids": position_ids, "inv_freq": inv_freq}


def reference(position_ids, inv_freq):
    # Build freqs_theta cache: outer(positions, inv_freq) -> [MAX_POS, HEAD_DIM//2]
    positions = jnp.arange(MAX_POS, dtype=jnp.float32)
    freqs_theta_cache = positions[:, None] * inv_freq[None, :]
    # Gather per-position theta: [B, S, HEAD_DIM//2]
    theta = jnp.take(freqs_theta_cache, position_ids, axis=0)
    return theta * ATTENTION_SCALING

if __name__ == "__main__":
    import jax
    _d = setup_inputs()
    print(jax.jit(kernel)(*tuple(_d.values())))

</pallas_src>

<mosaic_0001>
#map = affine_map<(d0, d1) -> (0, 0)>
#map1 = affine_map<(d0, d1) -> (0)>
#map2 = affine_map<(d0, d1) -> (0, 0, 0)>
module attributes {stable_mosaic.version = 14 : i64} {
  func.func @_rope_theta_sc(%arg0: i32, %arg1: i32, %arg2: memref<2x8192xi32, #tpu.memory_space<hbm>>, %arg3: memref<64xf32, #tpu.memory_space<hbm>>, %arg4: memref<2x64x8192xf32, #tpu.memory_space<hbm>>, %arg5: memref<8192xi32, #tpu.memory_space<vmem>>, %arg6: memref<128xf32, #tpu.memory_space<vmem>>, %arg7: memref<4x8192xf32, #tpu.memory_space<vmem>>, %arg8: memref<!tpu.dma_semaphore, #tpu.memory_space<semaphore_mem>>, %arg9: memref<!tpu.dma_semaphore, #tpu.memory_space<semaphore_mem>>, %arg10: memref<!tpu.dma_semaphore, #tpu.memory_space<semaphore_mem>>) attributes {dimension_semantics = [#tpu.dimension_semantics<core_parallel>, #tpu.dimension_semantics<subcore_parallel>], iteration_bounds = array<i64: 2, 16>, scalar_prefetch = 0 : i64, scratch_operands = 6 : i64, tpu.core_type = #tpu.core_type<sc_vector_subcore>, window_params = [{transform_indices = #map}, {transform_indices = #map1}, {transform_indices = #map2}]} {
    %mul3A = arith.constant 2 : i32
    %mul3A_0 = arith.muli %arg1, %mul3A : i32
    %add3A = arith.addi %mul3A_0, %arg0 : i32
    %jit3A = arith.constant 16 : i32
    %div3A = arith.divsi %add3A, %jit3A : i32
    %sign3A = arith.constant 0 : i32
    %sign3A_1 = arith.cmpi sgt, %add3A, %sign3A : i32
    %sign3A_2 = arith.extui %sign3A_1 : i1 to i32
    %sign3A_3 = arith.constant 0 : i32
    %sign3A_4 = arith.cmpi slt, %add3A, %sign3A_3 : i32
    %sign3A_5 = arith.extui %sign3A_4 : i1 to i32
    %sign3A_6 = arith.subi %sign3A_2, %sign3A_5 : i32
    %sign3A_7 = arith.constant 0 : i32
    %sign3A_8 = arith.cmpi sgt, %jit3A, %sign3A_7 : i32
    %sign3A_9 = arith.extui %sign3A_8 : i1 to i32
    %sign3A_10 = arith.constant 0 : i32
    %sign3A_11 = arith.cmpi slt, %jit3A, %sign3A_10 : i32
    %sign3A_12 = arith.extui %sign3A_11 : i1 to i32
    %sign3A_13 = arith.subi %sign3A_9, %sign3A_12 : i32
    %ne3A = arith.cmpi ne, %sign3A_6, %sign3A_13 : i32
    %rem3A = arith.remsi %add3A, %jit3A : i32
    %ne3A_14 = arith.constant 0 : i32
    %ne3A_15 = arith.cmpi ne, %rem3A, %ne3A_14 : i32
    %and3A = arith.andi %ne3A, %ne3A_15 : i1
    %sub3A = arith.constant 1 : i32
    %sub3A_16 = arith.subi %div3A, %sub3A : i32
    %select_n3A = arith.select %and3A, %sub3A_16, %div3A : i32
    %jit3A_17 = arith.constant 16 : i32
    %eq3A = arith.constant 0 : i32
    %eq3A_18 = arith.cmpi eq, %jit3A_17, %eq3A : i32
    %jit3A_19 = arith.constant 1 : i32
    %select_n3A_20 = arith.select %eq3A_18, %jit3A_19, %jit3A_17 : i32
    %rem3A_21 = arith.remsi %add3A, %select_n3A_20 : i32
    %ne3A_22 = arith.constant 0 : i32
    %ne3A_23 = arith.cmpi ne, %rem3A_21, %ne3A_22 : i32
    %lt3A = arith.constant 0 : i32
    %lt3A_24 = arith.cmpi slt, %rem3A_21, %lt3A : i32
    %lt3A_25 = arith.constant 0 : i32
    %lt3A_26 = arith.cmpi slt, %select_n3A_20, %lt3A_25 : i32
    %ne3A_27 = arith.xori %lt3A_24, %lt3A_26 : i1
    %and3A_28 = arith.andi %ne3A_27, %ne3A_23 : i1
    %add3A_29 = arith.addi %rem3A_21, %select_n3A_20 : i32
    %select_n3A_30 = arith.select %and3A_28, %add3A_29, %rem3A_21 : i32
    %mul3A_31 = arith.constant 4 : i32
    %mul3A_32 = arith.muli %select_n3A_30, %mul3A_31 : i32
    %dma_start3A = arith.constant 0 : i32
    %dma_start3A_33 = tpu.memref_slice %arg6[%dma_start3A] : memref<128xf32, #tpu.memory_space<vmem>> -> memref<64xf32, #tpu.memory_space<vmem>>
    %dma_start3A_34 = arith.constant 0 : i32
    %dma_start3A_35 = tpu.memref_slice %arg6[%dma_start3A_34] : memref<128xf32, #tpu.memory_space<vmem>> -> memref<64xf32, #tpu.memory_space<vmem>>
    tpu.enqueue_dma source(%arg3 : memref<64xf32, #tpu.memory_space<hbm>>) target(%dma_start3A_35 : memref<64xf32, #tpu.memory_space<vmem>>) target_semaphore(%arg9 : memref<!tpu.dma_semaphore, #tpu.memory_space<semaphore_mem>>)
    %dma_start3A_36 = arith.constant 0 : i32
    %dma_start3A_37 = tpu.memref_slice %arg2[%select_n3A, %dma_start3A_36] : memref<2x8192xi32, #tpu.memory_space<hbm>> -> memref<1x8192xi32, #tpu.memory_space<hbm>>
    %dma_start3A_38 = tpu.memref_squeeze %dma_start3A_37 : memref<1x8192xi32, #tpu.memory_space<hbm>> -> memref<8192xi32, #tpu.memory_space<hbm>>
    %dma_start3A_39 = arith.constant 0 : i32
    %dma_start3A_40 = tpu.memref_slice %arg2[%select_n3A, %dma_start3A_39] : memref<2x8192xi32, #tpu.memory_space<hbm>> -> memref<1x8192xi32, #tpu.memory_space<hbm>>
    %dma_start3A_41 = tpu.memref_squeeze %dma_start3A_40 : memref<1x8192xi32, #tpu.memory_space<hbm>> -> memref<8192xi32, #tpu.memory_space<hbm>>
    tpu.enqueue_dma source(%dma_start3A_41 : memref<8192xi32, #tpu.memory_space<hbm>>) target(%arg5 : memref<8192xi32, #tpu.memory_space<vmem>>) target_semaphore(%arg8 : memref<!tpu.dma_semaphore, #tpu.memory_space<semaphore_mem>>)
    %dma_wait3A = arith.constant 0 : i32
    %dma_wait3A_42 = tpu.memref_slice %arg6[%dma_wait3A] : memref<128xf32, #tpu.memory_space<vmem>> -> memref<64xf32, #tpu.memory_space<vmem>>
    %dma_wait3A_43 = arith.constant 0 : i32
    %dma_wait3A_44 = tpu.memref_slice %arg6[%dma_wait3A_43] : memref<128xf32, #tpu.memory_space<vmem>> -> memref<64xf32, #tpu.memory_space<vmem>>
    tpu.wait_dma2 semaphore(%arg9 : memref<!tpu.dma_semaphore, #tpu.memory_space<semaphore_mem>>) src(%arg3 : memref<64xf32, #tpu.memory_space<hbm>>) dst(%dma_wait3A_44 : memref<64xf32, #tpu.memory_space<vmem>>)
    %get3A = arith.index_cast %mul3A_32 : i32 to index
    %get3A_45 = tpu.vector_load %arg6[%get3A] {strides = array<i32>} : memref<128xf32, #tpu.memory_space<vmem>>, vector<16xf32>,
    %get3A_46 = vector.shape_cast %get3A_45 : vector<16xf32> to vector<16xf32>
    %slice3A = vector.extract_strided_slice %get3A_46 {offsets = [0], sizes = [1], strides = [1]} : vector<16xf32> to vector<1xf32>
    %squeeze3A = vector.extract %slice3A[0] : f32 from vector<1xf32>
    %slice3A_47 = vector.extract_strided_slice %get3A_46 {offsets = [1], sizes = [1], strides = [1]} : vector<16xf32> to vector<1xf32>
    %squeeze3A_48 = vector.extract %slice3A_47[0] : f32 from vector<1xf32>
    %slice3A_49 = vector.extract_strided_slice %get3A_46 {offsets = [2], sizes = [1], strides = [1]} : vector<16xf32> to vector<1xf32>
    %squeeze3A_50 = vector.extract %slice3A_49[0] : f32 from vector<1xf32>
    %slice3A_51 = vector.extract_strided_slice %get3A_46 {offsets = [3], sizes = [1], strides = [1]} : vector<16xf32> to vector<1xf32>
    %squeeze3A_52 = vector.extract %slice3A_51[0] : f32 from vector<1xf32>
    %dma_wait3A_53 = arith.constant 0 : i32
    %dma_wait3A_54 = tpu.memref_slice %arg2[%select_n3A, %dma_wait3A_53] : memref<2x8192xi32, #tpu.memory_space<hbm>> -> memref<1x8192xi32, #tpu.memory_space<hbm>>
    %dma_wait3A_55 = tpu.memref_squeeze %dma_wait3A_54 : memref<1x8192xi32, #tpu.memory_space<hbm>> -> memref<8192xi32, #tpu.memory_space<hbm>>
    %dma_wait3A_56 = arith.constant 0 : i32
    %dma_wait3A_57 = tpu.memref_slice %arg2[%select_n3A, %dma_wait3A_56] : memref<2x8192xi32, #tpu.memory_space<hbm>> -> memref<1x8192xi32, #tpu.memory_space<hbm>>
    %dma_wait3A_58 = tpu.memref_squeeze %dma_wait3A_57 : memref<1x8192xi32, #tpu.memory_space<hbm>> -> memref<8192xi32, #tpu.memory_space<hbm>>
    tpu.wait_dma2 semaphore(%arg8 : memref<!tpu.dma_semaphore, #tpu.memory_space<semaphore_mem>>) src(%dma_wait3A_58 : memref<8192xi32, #tpu.memory_space<hbm>>) dst(%arg5 : memref<8192xi32, #tpu.memory_space<vmem>>)
    %parallel_loop3A = arith.constant 0 : i32
    %parallel_loop3A_59 = arith.constant 2048 : i32
    %parallel_loop3A_60 = arith.constant 16 : i32
    scf.for %parallel_loop3A_166 = %parallel_loop3A to %parallel_loop3A_59 step %parallel_loop3A_60  : i32 {
      %parallel_loop3A_167 = arith.index_cast %parallel_loop3A_166 : i32 to index
      %parallel_loop3A_168 = tpu.vector_load %arg5[%parallel_loop3A_167] {strides = array<i32>} : memref<8192xi32, #tpu.memory_space<vmem>>, vector<16xi32>,
      %parallel_loop3A_169 = vector.shape_cast %parallel_loop3A_168 : vector<16xi32> to vector<16xi32>
      %parallel_loop3A_170 = arith.sitofp %parallel_loop3A_169 : vector<16xi32> to vector<16xf32>
      %parallel_loop3A_171 = vector.broadcast %squeeze3A : f32 to vector<16xf32>
      %parallel_loop3A_172 = arith.mulf %parallel_loop3A_170, %parallel_loop3A_171 : vector<16xf32>
      %parallel_loop3A_173 = arith.constant 0 : i32
      %parallel_loop3A_174 = arith.index_cast %parallel_loop3A_173 : i32 to index
      %parallel_loop3A_175 = arith.index_cast %parallel_loop3A_166 : i32 to index
      %parallel_loop3A_176 = tpu.vector_load %arg7[%parallel_loop3A_174, %parallel_loop3A_175] {strides = array<i32>} : memref<4x8192xf32, #tpu.memory_space<vmem>>, vector<1x16xf32>,
      %parallel_loop3A_177 = vector.shape_cast %parallel_loop3A_176 : vector<1x16xf32> to vector<16xf32>
      %parallel_loop3A_178 = vector.shape_cast %parallel_loop3A_172 : vector<16xf32> to vector<1x16xf32>
      tpu.vector_store %arg7[%parallel_loop3A_174, %parallel_loop3A_175], %parallel_loop3A_178 {strides = array<i32>} : memref<4x8192xf32, #tpu.memory_space<vmem>>, vector<1x16xf32>,
      %parallel_loop3A_179 = vector.broadcast %squeeze3A_48 : f32 to vector<16xf32>
      %parallel_loop3A_180 = arith.mulf %parallel_loop3A_170, %parallel_loop3A_179 : vector<16xf32>
      %parallel_loop3A_181 = arith.constant 1 : i32
      %parallel_loop3A_182 = arith.index_cast %parallel_loop3A_181 : i32 to index
      %parallel_loop3A_183 = arith.index_cast %parallel_loop3A_166 : i32 to index
      %parallel_loop3A_184 = tpu.vector_load %arg7[%parallel_loop3A_182, %parallel_loop3A_183] {strides = array<i32>} : memref<4x8192xf32, #tpu.memory_space<vmem>>, vector<1x16xf32>,
      %parallel_loop3A_185 = vector.shape_cast %parallel_loop3A_184 : vector<1x16xf32> to vector<16xf32>
      %parallel_loop3A_186 = vector.shape_cast %parallel_loop3A_180 : vector<16xf32> to vector<1x16xf32>
      tpu.vector_store %arg7[%parallel_loop3A_182, %parallel_loop3A_183], %parallel_loop3A_186 {strides = array<i32>} : memref<4x8192xf32, #tpu.memory_space<vmem>>, vector<1x16xf32>,
      %parallel_loop3A_187 = vector.broadcast %squeeze3A_50 : f32 to vector<16xf32>
      %parallel_loop3A_188 = arith.mulf %parallel_loop3A_170, %parallel_loop3A_187 : vector<16xf32>
      %parallel_loop3A_189 = arith.constant 2 : i32
      %parallel_loop3A_190 = arith.index_cast %parallel_loop3A_189 : i32 to index
      %parallel_loop3A_191 = arith.index_cast %parallel_loop3A_166 : i32 to index
      %parallel_loop3A_192 = tpu.vector_load %arg7[%parallel_loop3A_190, %parallel_loop3A_191] {strides = array<i32>} : memref<4x8192xf32, #tpu.memory_space<vmem>>, vector<1x16xf32>,
      %parallel_loop3A_193 = vector.shape_cast %parallel_loop3A_192 : vector<1x16xf32> to vector<16xf32>
      %parallel_loop3A_194 = vector.shape_cast %parallel_loop3A_188 : vector<16xf32> to vector<1x16xf32>
      tpu.vector_store %arg7[%parallel_loop3A_190, %parallel_loop3A_191], %parallel_loop3A_194 {strides = array<i32>} : memref<4x8192xf32, #tpu.memory_space<vmem>>, vector<1x16xf32>,
      %parallel_loop3A_195 = vector.broadcast %squeeze3A_52 : f32 to vector<16xf32>
      %parallel_loop3A_196 = arith.mulf %parallel_loop3A_170, %parallel_loop3A_195 : vector<16xf32>
      %parallel_loop3A_197 = arith.constant 3 : i32
      %parallel_loop3A_198 = arith.index_cast %parallel_loop3A_197 : i32 to index
      %parallel_loop3A_199 = arith.index_cast %parallel_loop3A_166 : i32 to index
      %parallel_loop3A_200 = tpu.vector_load %arg7[%parallel_loop3A_198, %parallel_loop3A_199] {strides = array<i32>} : memref<4x8192xf32, #tpu.memory_space<vmem>>, vector<1x16xf32>,
      %parallel_loop3A_201 = vector.shape_cast %parallel_loop3A_200 : vector<1x16xf32> to vector<16xf32>
      %parallel_loop3A_202 = vector.shape_cast %parallel_loop3A_196 : vector<16xf32> to vector<1x16xf32>
      tpu.vector_store %arg7[%parallel_loop3A_198, %parallel_loop3A_199], %parallel_loop3A_202 {strides = array<i32>} : memref<4x8192xf32, #tpu.memory_space<vmem>>, vector<1x16xf32>,
    } {sc.loop_unroll_factor = 4 : i64, sc.parallel_access}
    %dma_start3A_61 = arith.constant 0 : i32
    %dma_start3A_62 = arith.constant 0 : i32
    %dma_start3A_63 = tpu.memref_slice %arg7[%dma_start3A_61, %dma_start3A_62] : memref<4x8192xf32, #tpu.memory_space<vmem>> -> memref<4x2048xf32, #tpu.memory_space<vmem>>
    %dma_start3A_64 = arith.constant 0 : i32
    %dma_start3A_65 = tpu.memref_slice %arg4[%select_n3A, %mul3A_32, %dma_start3A_64] : memref<2x64x8192xf32, #tpu.memory_space<hbm>> -> memref<1x4x2048xf32, #tpu.memory_space<hbm>>
    %dma_start3A_66 = tpu.memref_squeeze %dma_start3A_65 : memref<1x4x2048xf32, #tpu.memory_space<hbm>> -> memref<4x2048xf32, #tpu.memory_space<hbm>>
    %dma_start3A_67 = arith.constant 0 : i32
    %dma_start3A_68 = tpu.memref_slice %arg4[%select_n3A, %mul3A_32, %dma_start3A_67] : memref<2x64x8192xf32, #tpu.memory_space<hbm>> -> memref<1x4x2048xf32, #tpu.memory_space<hbm>>
    %dma_start3A_69 = tpu.memref_squeeze %dma_start3A_68 : memref<1x4x2048xf32, #tpu.memory_space<hbm>> -> memref<4x2048xf32, #tpu.memory_space<hbm>>
    %dma_start3A_70 = arith.constant 0 : i32
    %dma_start3A_71 = arith.constant 0 : i32
    %dma_start3A_72 = tpu.memref_slice %arg7[%dma_start3A_70, %dma_start3A_71] : memref<4x8192xf32, #tpu.memory_space<vmem>> -> memref<4x2048xf32, #tpu.memory_space<vmem>>
    tpu.enqueue_dma source(%dma_start3A_72 : memref<4x2048xf32, #tpu.memory_space<vmem>>) target(%dma_start3A_69 : memref<4x2048xf32, #tpu.memory_space<hbm>>) target_semaphore(%arg10 : memref<!tpu.dma_semaphore, #tpu.memory_space<semaphore_mem>>)
    %parallel_loop3A_73 = arith.constant 2048 : i32
    %parallel_loop3A_74 = arith.constant 4096 : i32
    %parallel_loop3A_75 = arith.constant 16 : i32
    scf.for %parallel_loop3A_166 = %parallel_loop3A_73 to %parallel_loop3A_74 step %parallel_loop3A_75  : i32 {
      %parallel_loop3A_167 = arith.index_cast %parallel_loop3A_166 : i32 to index
      %parallel_loop3A_168 = tpu.vector_load %arg5[%parallel_loop3A_167] {strides = array<i32>} : memref<8192xi32, #tpu.memory_space<vmem>>, vector<16xi32>,
      %parallel_loop3A_169 = vector.shape_cast %parallel_loop3A_168 : vector<16xi32> to vector<16xi32>
      %parallel_loop3A_170 = arith.sitofp %parallel_loop3A_169 : vector<16xi32> to vector<16xf32>
      %parallel_loop3A_171 = vector.broadcast %squeeze3A : f32 to vector<16xf32>
      %parallel_loop3A_172 = arith.mulf %parallel_loop3A_170, %parallel_loop3A_171 : vector<16xf32>
      %parallel_loop3A_173 = arith.constant 0 : i32
      %parallel_loop3A_174 = arith.index_cast %parallel_loop3A_173 : i32 to index
      %parallel_loop3A_175 = arith.index_cast %parallel_loop3A_166 : i32 to index
      %parallel_loop3A_176 = tpu.vector_load %arg7[%parallel_loop3A_174, %parallel_loop3A_175] {strides = array<i32>} : memref<4x8192xf32, #tpu.memory_space<vmem>>, vector<1x16xf32>,
      %parallel_loop3A_177 = vector.shape_cast %parallel_loop3A_176 : vector<1x16xf32> to vector<16xf32>
      %parallel_loop3A_178 = vector.shape_cast %parallel_loop3A_172 : vector<16xf32> to vector<1x16xf32>
      tpu.vector_store %arg7[%parallel_loop3A_174, %parallel_loop3A_175], %parallel_loop3A_178 {strides = array<i32>} : memref<4x8192xf32, #tpu.memory_space<vmem>>, vector<1x16xf32>,
      %parallel_loop3A_179 = vector.broadcast %squeeze3A_48 : f32 to vector<16xf32>
      %parallel_loop3A_180 = arith.mulf %parallel_loop3A_170, %parallel_loop3A_179 : vector<16xf32>
      %parallel_loop3A_181 = arith.constant 1 : i32
      %parallel_loop3A_182 = arith.index_cast %parallel_loop3A_181 : i32 to index
      %parallel_loop3A_183 = arith.index_cast %parallel_loop3A_166 : i32 to index
      %parallel_loop3A_184 = tpu.vector_load %arg7[%parallel_loop3A_182, %parallel_loop3A_183] {strides = array<i32>} : memref<4x8192xf32, #tpu.memory_space<vmem>>, vector<1x16xf32>,
      %parallel_loop3A_185 = vector.shape_cast %parallel_loop3A_184 : vector<1x16xf32> to vector<16xf32>
      %parallel_loop3A_186 = vector.shape_cast %parallel_loop3A_180 : vector<16xf32> to vector<1x16xf32>
      tpu.vector_store %arg7[%parallel_loop3A_182, %parallel_loop3A_183], %parallel_loop3A_186 {strides = array<i32>} : memref<4x8192xf32, #tpu.memory_space<vmem>>, vector<1x16xf32>,
      %parallel_loop3A_187 = vector.broadcast %squeeze3A_50 : f32 to vector<16xf32>
      %parallel_loop3A_188 = arith.mulf %parallel_loop3A_170, %parallel_loop3A_187 : vector<16xf32>
      %parallel_loop3A_189 = arith.constant 2 : i32
      %parallel_loop3A_190 = arith.index_cast %parallel_loop3A_189 : i32 to index
      %parallel_loop3A_191 = arith.index_cast %parallel_loop3A_166 : i32 to index
      %parallel_loop3A_192 = tpu.vector_load %arg7[%parallel_loop3A_190, %parallel_loop3A_191] {strides = array<i32>} : memref<4x8192xf32, #tpu.memory_space<vmem>>, vector<1x16xf32>,
      %parallel_loop3A_193 = vector.shape_cast %parallel_loop3A_192 : vector<1x16xf32> to vector<16xf32>
      %parallel_loop3A_194 = vector.shape_cast %parallel_loop3A_188 : vector<16xf32> to vector<1x16xf32>
      tpu.vector_store %arg7[%parallel_loop3A_190, %parallel_loop3A_191], %parallel_loop3A_194 {strides = array<i32>} : memref<4x8192xf32, #tpu.memory_space<vmem>>, vector<1x16xf32>,
      %parallel_loop3A_195 = vector.broadcast %squeeze3A_52 : f32 to vector<16xf32>
      %parallel_loop3A_196 = arith.mulf %parallel_loop3A_170, %parallel_loop3A_195 : vector<16xf32>
      %parallel_loop3A_197 = arith.constant 3 : i32
      %parallel_loop3A_198 = arith.index_cast %parallel_loop3A_197 : i32 to index
      %parallel_loop3A_199 = arith.index_cast %parallel_loop3A_166 : i32 to index
      %parallel_loop3A_200 = tpu.vector_load %arg7[%parallel_loop3A_198, %parallel_loop3A_199] {strides = array<i32>} : memref<4x8192xf32, #tpu.memory_space<vmem>>, vector<1x16xf32>,
      %parallel_loop3A_201 = vector.shape_cast %parallel_loop3A_200 : vector<1x16xf32> to vector<16xf32>
      %parallel_loop3A_202 = vector.shape_cast %parallel_loop3A_196 : vector<16xf32> to vector<1x16xf32>
      tpu.vector_store %arg7[%parallel_loop3A_198, %parallel_loop3A_199], %parallel_loop3A_202 {strides = array<i32>} : memref<4x8192xf32, #tpu.memory_space<vmem>>, vector<1x16xf32>,
    } {sc.loop_unroll_factor = 4 : i64, sc.parallel_access}
    %dma_start3A_76 = arith.constant 0 : i32
    %dma_start3A_77 = arith.constant 2048 : i32
    %dma_start3A_78 = tpu.memref_slice %arg7[%dma_start3A_76, %dma_start3A_77] : memref<4x8192xf32, #tpu.memory_space<vmem>> -> memref<4x2048xf32, #tpu.memory_space<vmem>>
    %dma_start3A_79 = arith.constant 2048 : i32
    %dma_start3A_80 = tpu.memref_slice %arg4[%select_n3A, %mul3A_32, %dma_start3A_79] : memref<2x64x8192xf32, #tpu.memory_space<hbm>> -> memref<1x4x2048xf32, #tpu.memory_space<hbm>>
    %dma_start3A_81 = tpu.memref_squeeze %dma_start3A_80 : memref<1x4x2048xf32, #tpu.memory_space<hbm>> -> memref<4x2048xf32, #tpu.memory_space<hbm>>
    %dma_start3A_82 = arith.constant 2048 : i32
    %dma_start3A_83 = tpu.memref_slice %arg4[%select_n3A, %mul3A_32, %dma_start3A_82] : memref<2x64x8192xf32, #tpu.memory_space<hbm>> -> memref<1x4x2048xf32, #tpu.memory_space<hbm>>
    %dma_start3A_84 = tpu.memref_squeeze %dma_start3A_83 : memref<1x4x2048xf32, #tpu.memory_space<hbm>> -> memref<4x2048xf32, #tpu.memory_space<hbm>>
    %dma_start3A_85 = arith.constant 0 : i32
    %dma_start3A_86 = arith.constant 2048 : i32
    %dma_start3A_87 = tpu.memref_slice %arg7[%dma_start3A_85, %dma_start3A_86] : memref<4x8192xf32, #tpu.memory_space<vmem>> -> memref<4x2048xf32, #tpu.memory_space<vmem>>
    tpu.enqueue_dma source(%dma_start3A_87 : memref<4x2048xf32, #tpu.memory_space<vmem>>) target(%dma_start3A_84 : memref<4x2048xf32, #tpu.memory_space<hbm>>) target_semaphore(%arg10 : memref<!tpu.dma_semaphore, #tpu.memory_space<semaphore_mem>>)
    %parallel_loop3A_88 = arith.constant 4096 : i32
    %parallel_loop3A_89 = arith.constant 6144 : i32
    %parallel_loop3A_90 = arith.constant 16 : i32
    scf.for %parallel_loop3A_166 = %parallel_loop3A_88 to %parallel_loop3A_89 step %parallel_loop3A_90  : i32 {
      %parallel_loop3A_167 = arith.index_cast %parallel_loop3A_166 : i32 to index
      %parallel_loop3A_168 = tpu.vector_load %arg5[%parallel_loop3A_167] {strides = array<i32>} : memref<8192xi32, #tpu.memory_space<vmem>>, vector<16xi32>,
      %parallel_loop3A_169 = vector.shape_cast %parallel_loop3A_168 : vector<16xi32> to vector<16xi32>
      %parallel_loop3A_170 = arith.sitofp %parallel_loop3A_169 : vector<16xi32> to vector<16xf32>
      %parallel_loop3A_171 = vector.broadcast %squeeze3A : f32 to vector<16xf32>
      %parallel_loop3A_172 = arith.mulf %parallel_loop3A_170, %parallel_loop3A_171 : vector<16xf32>
      %parallel_loop3A_173 = arith.constant 0 : i32
      %parallel_loop3A_174 = arith.index_cast %parallel_loop3A_173 : i32 to index
      %parallel_loop3A_175 = arith.index_cast %parallel_loop3A_166 : i32 to index
      %parallel_loop3A_176 = tpu.vector_load %arg7[%parallel_loop3A_174, %parallel_loop3A_175] {strides = array<i32>} : memref<4x8192xf32, #tpu.memory_space<vmem>>, vector<1x16xf32>,
      %parallel_loop3A_177 = vector.shape_cast %parallel_loop3A_176 : vector<1x16xf32> to vector<16xf32>
      %parallel_loop3A_178 = vector.shape_cast %parallel_loop3A_172 : vector<16xf32> to vector<1x16xf32>
      tpu.vector_store %arg7[%parallel_loop3A_174, %parallel_loop3A_175], %parallel_loop3A_178 {strides = array<i32>} : memref<4x8192xf32, #tpu.memory_space<vmem>>, vector<1x16xf32>,
      %parallel_loop3A_179 = vector.broadcast %squeeze3A_48 : f32 to vector<16xf32>
      %parallel_loop3A_180 = arith.mulf %parallel_loop3A_170, %parallel_loop3A_179 : vector<16xf32>
      %parallel_loop3A_181 = arith.constant 1 : i32
      %parallel_loop3A_182 = arith.index_cast %parallel_loop3A_181 : i32 to index
      %parallel_loop3A_183 = arith.index_cast %parallel_loop3A_166 : i32 to index
      %parallel_loop3A_184 = tpu.vector_load %arg7[%parallel_loop3A_182, %parallel_loop3A_183] {strides = array<i32>} : memref<4x8192xf32, #tpu.memory_space<vmem>>, vector<1x16xf32>,
      %parallel_loop3A_185 = vector.shape_cast %parallel_loop3A_184 : vector<1x16xf32> to vector<16xf32>
      %parallel_loop3A_186 = vector.shape_cast %parallel_loop3A_180 : vector<16xf32> to vector<1x16xf32>
      tpu.vector_store %arg7[%parallel_loop3A_182, %parallel_loop3A_183], %parallel_loop3A_186 {strides = array<i32>} : memref<4x8192xf32, #tpu.memory_space<vmem>>, vector<1x16xf32>,
      %parallel_loop3A_187 = vector.broadcast %squeeze3A_50 : f32 to vector<16xf32>
      %parallel_loop3A_188 = arith.mulf %parallel_loop3A_170, %parallel_loop3A_187 : vector<16xf32>
      %parallel_loop3A_189 = arith.constant 2 : i32
      %parallel_loop3A_190 = arith.index_cast %parallel_loop3A_189 : i32 to index
      %parallel_loop3A_191 = arith.index_cast %parallel_loop3A_166 : i32 to index
      %parallel_loop3A_192 = tpu.vector_load %arg7[%parallel_loop3A_190, %parallel_loop3A_191] {strides = array<i32>} : memref<4x8192xf32, #tpu.memory_space<vmem>>, vector<1x16xf32>,
      %parallel_loop3A_193 = vector.shape_cast %parallel_loop3A_192 : vector<1x16xf32> to vector<16xf32>
      %parallel_loop3A_194 = vector.shape_cast %parallel_loop3A_188 : vector<16xf32> to vector<1x16xf32>
      tpu.vector_store %arg7[%parallel_loop3A_190, %parallel_loop3A_191], %parallel_loop3A_194 {strides = array<i32>} : memref<4x8192xf32, #tpu.memory_space<vmem>>, vector<1x16xf32>,
      %parallel_loop3A_195 = vector.broadcast %squeeze3A_52 : f32 to vector<16xf32>
      %parallel_loop3A_196 = arith.mulf %parallel_loop3A_170, %parallel_loop3A_195 : vector<16xf32>
      %parallel_loop3A_197 = arith.constant 3 : i32
      %parallel_loop3A_198 = arith.index_cast %parallel_loop3A_197 : i32 to index
      %parallel_loop3A_199 = arith.index_cast %parallel_loop3A_166 : i32 to index
      %parallel_loop3A_200 = tpu.vector_load %arg7[%parallel_loop3A_198, %parallel_loop3A_199] {strides = array<i32>} : memref<4x8192xf32, #tpu.memory_space<vmem>>, vector<1x16xf32>,
      %parallel_loop3A_201 = vector.shape_cast %parallel_loop3A_200 : vector<1x16xf32> to vector<16xf32>
      %parallel_loop3A_202 = vector.shape_cast %parallel_loop3A_196 : vector<16xf32> to vector<1x16xf32>
      tpu.vector_store %arg7[%parallel_loop3A_198, %parallel_loop3A_199], %parallel_loop3A_202 {strides = array<i32>} : memref<4x8192xf32, #tpu.memory_space<vmem>>, vector<1x16xf32>,
    } {sc.loop_unroll_factor = 4 : i64, sc.parallel_access}
    %dma_start3A_91 = arith.constant 0 : i32
    %dma_start3A_92 = arith.constant 4096 : i32
    %dma_start3A_93 = tpu.memref_slice %arg7[%dma_start3A_91, %dma_start3A_92] : memref<4x8192xf32, #tpu.memory_space<vmem>> -> memref<4x2048xf32, #tpu.memory_space<vmem>>
    %dma_start3A_94 = arith.constant 4096 : i32
    %dma_start3A_95 = tpu.memref_slice %arg4[%select_n3A, %mul3A_32, %dma_start3A_94] : memref<2x64x8192xf32, #tpu.memory_space<hbm>> -> memref<1x4x2048xf32, #tpu.memory_space<hbm>>
    %dma_start3A_96 = tpu.memref_squeeze %dma_start3A_95 : memref<1x4x2048xf32, #tpu.memory_space<hbm>> -> memref<4x2048xf32, #tpu.memory_space<hbm>>
    %dma_start3A_97 = arith.constant 4096 : i32
    %dma_start3A_98 = tpu.memref_slice %arg4[%select_n3A, %mul3A_32, %dma_start3A_97] : memref<2x64x8192xf32, #tpu.memory_space<hbm>> -> memref<1x4x2048xf32, #tpu.memory_space<hbm>>
    %dma_start3A_99 = tpu.memref_squeeze %dma_start3A_98 : memref<1x4x2048xf32, #tpu.memory_space<hbm>> -> memref<4x2048xf32, #tpu.memory_space<hbm>>
    %dma_start3A_100 = arith.constant 0 : i32
    %dma_start3A_101 = arith.constant 4096 : i32
    %dma_start3A_102 = tpu.memref_slice %arg7[%dma_start3A_100, %dma_start3A_101] : memref<4x8192xf32, #tpu.memory_space<vmem>> -> memref<4x2048xf32, #tpu.memory_space<vmem>>
    tpu.enqueue_dma source(%dma_start3A_102 : memref<4x2048xf32, #tpu.memory_space<vmem>>) target(%dma_start3A_99 : memref<4x2048xf32, #tpu.memory_space<hbm>>) target_semaphore(%arg10 : memref<!tpu.dma_semaphore, #tpu.memory_space<semaphore_mem>>)
    %parallel_loop3A_103 = arith.constant 6144 : i32
    %parallel_loop3A_104 = arith.constant 8192 : i32
    %parallel_loop3A_105 = arith.constant 16 : i32
    scf.for %parallel_loop3A_166 = %parallel_loop3A_103 to %parallel_loop3A_104 step %parallel_loop3A_105  : i32 {
      %parallel_loop3A_167 = arith.index_cast %parallel_loop3A_166 : i32 to index
      %parallel_loop3A_168 = tpu.vector_load %arg5[%parallel_loop3A_167] {strides = array<i32>} : memref<8192xi32, #tpu.memory_space<vmem>>, vector<16xi32>,
      %parallel_loop3A_169 = vector.shape_cast %parallel_loop3A_168 : vector<16xi32> to vector<16xi32>
      %parallel_loop3A_170 = arith.sitofp %parallel_loop3A_169 : vector<16xi32> to vector<16xf32>
      %parallel_loop3A_171 = vector.broadcast %squeeze3A : f32 to vector<16xf32>
      %parallel_loop3A_172 = arith.mulf %parallel_loop3A_170, %parallel_loop3A_171 : vector<16xf32>
      %parallel_loop3A_173 = arith.constant 0 : i32
      %parallel_loop3A_174 = arith.index_cast %parallel_loop3A_173 : i32 to index
      %parallel_loop3A_175 = arith.index_cast %parallel_loop3A_166 : i32 to index
      %parallel_loop3A_176 = tpu.vector_load %arg7[%parallel_loop3A_174, %parallel_loop3A_175] {strides = array<i32>} : memref<4x8192xf32, #tpu.memory_space<vmem>>, vector<1x16xf32>,
      %parallel_loop3A_177 = vector.shape_cast %parallel_loop3A_176 : vector<1x16xf32> to vector<16xf32>
      %parallel_loop3A_178 = vector.shape_cast %parallel_loop3A_172 : vector<16xf32> to vector<1x16xf32>
      tpu.vector_store %arg7[%parallel_loop3A_174, %parallel_loop3A_175], %parallel_loop3A_178 {strides = array<i32>} : memref<4x8192xf32, #tpu.memory_space<vmem>>, vector<1x16xf32>,
      %parallel_loop3A_179 = vector.broadcast %squeeze3A_48 : f32 to vector<16xf32>
      %parallel_loop3A_180 = arith.mulf %parallel_loop3A_170, %parallel_loop3A_179 : vector<16xf32>
      %parallel_loop3A_181 = arith.constant 1 : i32
      %parallel_loop3A_182 = arith.index_cast %parallel_loop3A_181 : i32 to index
      %parallel_loop3A_183 = arith.index_cast %parallel_loop3A_166 : i32 to index
      %parallel_loop3A_184 = tpu.vector_load %arg7[%parallel_loop3A_182, %parallel_loop3A_183] {strides = array<i32>} : memref<4x8192xf32, #tpu.memory_space<vmem>>, vector<1x16xf32>,
      %parallel_loop3A_185 = vector.shape_cast %parallel_loop3A_184 : vector<1x16xf32> to vector<16xf32>
      %parallel_loop3A_186 = vector.shape_cast %parallel_loop3A_180 : vector<16xf32> to vector<1x16xf32>
      tpu.vector_store %arg7[%parallel_loop3A_182, %parallel_loop3A_183], %parallel_loop3A_186 {strides = array<i32>} : memref<4x8192xf32, #tpu.memory_space<vmem>>, vector<1x16xf32>,
      %parallel_loop3A_187 = vector.broadcast %squeeze3A_50 : f32 to vector<16xf32>
      %parallel_loop3A_188 = arith.mulf %parallel_loop3A_170, %parallel_loop3A_187 : vector<16xf32>
      %parallel_loop3A_189 = arith.constant 2 : i32
      %parallel_loop3A_190 = arith.index_cast %parallel_loop3A_189 : i32 to index
      %parallel_loop3A_191 = arith.index_cast %parallel_loop3A_166 : i32 to index
      %parallel_loop3A_192 = tpu.vector_load %arg7[%parallel_loop3A_190, %parallel_loop3A_191] {strides = array<i32>} : memref<4x8192xf32, #tpu.memory_space<vmem>>, vector<1x16xf32>,
      %parallel_loop3A_193 = vector.shape_cast %parallel_loop3A_192 : vector<1x16xf32> to vector<16xf32>
      %parallel_loop3A_194 = vector.shape_cast %parallel_loop3A_188 : vector<16xf32> to vector<1x16xf32>
      tpu.vector_store %arg7[%parallel_loop3A_190, %parallel_loop3A_191], %parallel_loop3A_194 {strides = array<i32>} : memref<4x8192xf32, #tpu.memory_space<vmem>>, vector<1x16xf32>,
      %parallel_loop3A_195 = vector.broadcast %squeeze3A_52 : f32 to vector<16xf32>
      %parallel_loop3A_196 = arith.mulf %parallel_loop3A_170, %parallel_loop3A_195 : vector<16xf32>
      %parallel_loop3A_197 = arith.constant 3 : i32
      %parallel_loop3A_198 = arith.index_cast %parallel_loop3A_197 : i32 to index
      %parallel_loop3A_199 = arith.index_cast %parallel_loop3A_166 : i32 to index
      %parallel_loop3A_200 = tpu.vector_load %arg7[%parallel_loop3A_198, %parallel_loop3A_199] {strides = array<i32>} : memref<4x8192xf32, #tpu.memory_space<vmem>>, vector<1x16xf32>,
      %parallel_loop3A_201 = vector.shape_cast %parallel_loop3A_200 : vector<1x16xf32> to vector<16xf32>
      %parallel_loop3A_202 = vector.shape_cast %parallel_loop3A_196 : vector<16xf32> to vector<1x16xf32>
      tpu.vector_store %arg7[%parallel_loop3A_198, %parallel_loop3A_199], %parallel_loop3A_202 {strides = array<i32>} : memref<4x8192xf32, #tpu.memory_space<vmem>>, vector<1x16xf32>,
    } {sc.loop_unroll_factor = 4 : i64, sc.parallel_access}
    %dma_start3A_106 = arith.constant 0 : i32
    %dma_start3A_107 = arith.constant 6144 : i32
    %dma_start3A_108 = tpu.memref_slice %arg7[%dma_start3A_106, %dma_start3A_107] : memref<4x8192xf32, #tpu.memory_space<vmem>> -> memref<4x2048xf32, #tpu.memory_space<vmem>>
    %dma_start3A_109 = arith.constant 6144 : i32
    %dma_start3A_110 = tpu.memref_slice %arg4[%select_n3A, %mul3A_32, %dma_start3A_109] : memref<2x64x8192xf32, #tpu.memory_space<hbm>> -> memref<1x4x2048xf32, #tpu.memory_space<hbm>>
    %dma_start3A_111 = tpu.memref_squeeze %dma_start3A_110 : memref<1x4x2048xf32, #tpu.memory_space<hbm>> -> memref<4x2048xf32, #tpu.memory_space<hbm>>
    %dma_start3A_112 = arith.constant 6144 : i32
    %dma_start3A_113 = tpu.memref_slice %arg4[%select_n3A, %mul3A_32, %dma_start3A_112] : memref<2x64x8192xf32, #tpu.memory_space<hbm>> -> memref<1x4x2048xf32, #tpu.memory_space<hbm>>
    %dma_start3A_114 = tpu.memref_squeeze %dma_start3A_113 : memref<1x4x2048xf32, #tpu.memory_space<hbm>> -> memref<4x2048xf32, #tpu.memory_space<hbm>>
    %dma_start3A_115 = arith.constant 0 : i32
    %dma_start3A_116 = arith.constant 6144 : i32
    %dma_start3A_117 = tpu.memref_slice %arg7[%dma_start3A_115, %dma_start3A_116] : memref<4x8192xf32, #tpu.memory_space<vmem>> -> memref<4x2048xf32, #tpu.memory_space<vmem>>
    tpu.enqueue_dma source(%dma_start3A_117 : memref<4x2048xf32, #tpu.memory_space<vmem>>) target(%dma_start3A_114 : memref<4x2048xf32, #tpu.memory_space<hbm>>) target_semaphore(%arg10 : memref<!tpu.dma_semaphore, #tpu.memory_space<semaphore_mem>>)
    %dma_wait3A_118 = arith.constant 0 : i32
    %dma_wait3A_119 = arith.constant 0 : i32
    %dma_wait3A_120 = tpu.memref_slice %arg7[%dma_wait3A_118, %dma_wait3A_119] : memref<4x8192xf32, #tpu.memory_space<vmem>> -> memref<4x2048xf32, #tpu.memory_space<vmem>>
    %dma_wait3A_121 = arith.constant 0 : i32
    %dma_wait3A_122 = tpu.memref_slice %arg4[%select_n3A, %mul3A_32, %dma_wait3A_121] : memref<2x64x8192xf32, #tpu.memory_space<hbm>> -> memref<1x4x2048xf32, #tpu.memory_space<hbm>>
    %dma_wait3A_123 = tpu.memref_squeeze %dma_wait3A_122 : memref<1x4x2048xf32, #tpu.memory_space<hbm>> -> memref<4x2048xf32, #tpu.memory_space<hbm>>
    %dma_wait3A_124 = arith.constant 0 : i32
    %dma_wait3A_125 = tpu.memref_slice %arg4[%select_n3A, %mul3A_32, %dma_wait3A_124] : memref<2x64x8192xf32, #tpu.memory_space<hbm>> -> memref<1x4x2048xf32, #tpu.memory_space<hbm>>
    %dma_wait3A_126 = tpu.memref_squeeze %dma_wait3A_125 : memref<1x4x2048xf32, #tpu.memory_space<hbm>> -> memref<4x2048xf32, #tpu.memory_space<hbm>>
    %dma_wait3A_127 = arith.constant 0 : i32
    %dma_wait3A_128 = arith.constant 0 : i32
    %dma_wait3A_129 = tpu.memref_slice %arg7[%dma_wait3A_127, %dma_wait3A_128] : memref<4x8192xf32, #tpu.memory_space<vmem>> -> memref<4x2048xf32, #tpu.memory_space<vmem>>
    tpu.wait_dma2 semaphore(%arg10 : memref<!tpu.dma_semaphore, #tpu.memory_space<semaphore_mem>>) src(%dma_wait3A_129 : memref<4x2048xf32, #tpu.memory_space<vmem>>) dst(%dma_wait3A_126 : memref<4x2048xf32, #tpu.memory_space<hbm>>)
    %dma_wait3A_130 = arith.constant 0 : i32
    %dma_wait3A_131 = arith.constant 2048 : i32
    %dma_wait3A_132 = tpu.memref_slice %arg7[%dma_wait3A_130, %dma_wait3A_131] : memref<4x8192xf32, #tpu.memory_space<vmem>> -> memref<4x2048xf32, #tpu.memory_space<vmem>>
    %dma_wait3A_133 = arith.constant 2048 : i32
    %dma_wait3A_134 = tpu.memref_slice %arg4[%select_n3A, %mul3A_32, %dma_wait3A_133] : memref<2x64x8192xf32, #tpu.memory_space<hbm>> -> memref<1x4x2048xf32, #tpu.memory_space<hbm>>
    %dma_wait3A_135 = tpu.memref_squeeze %dma_wait3A_134 : memref<1x4x2048xf32, #tpu.memory_space<hbm>> -> memref<4x2048xf32, #tpu.memory_space<hbm>>
    %dma_wait3A_136 = arith.constant 2048 : i32
    %dma_wait3A_137 = tpu.memref_slice %arg4[%select_n3A, %mul3A_32, %dma_wait3A_136] : memref<2x64x8192xf32, #tpu.memory_space<hbm>> -> memref<1x4x2048xf32, #tpu.memory_space<hbm>>
    %dma_wait3A_138 = tpu.memref_squeeze %dma_wait3A_137 : memref<1x4x2048xf32, #tpu.memory_space<hbm>> -> memref<4x2048xf32, #tpu.memory_space<hbm>>
    %dma_wait3A_139 = arith.constant 0 : i32
    %dma_wait3A_140 = arith.constant 2048 : i32
    %dma_wait3A_141 = tpu.memref_slice %arg7[%dma_wait3A_139, %dma_wait3A_140] : memref<4x8192xf32, #tpu.memory_space<vmem>> -> memref<4x2048xf32, #tpu.memory_space<vmem>>
    tpu.wait_dma2 semaphore(%arg10 : memref<!tpu.dma_semaphore, #tpu.memory_space<semaphore_mem>>) src(%dma_wait3A_141 : memref<4x2048xf32, #tpu.memory_space<vmem>>) dst(%dma_wait3A_138 : memref<4x2048xf32, #tpu.memory_space<hbm>>)
    %dma_wait3A_142 = arith.constant 0 : i32
    %dma_wait3A_143 = arith.constant 4096 : i32
    %dma_wait3A_144 = tpu.memref_slice %arg7[%dma_wait3A_142, %dma_wait3A_143] : memref<4x8192xf32, #tpu.memory_space<vmem>> -> memref<4x2048xf32, #tpu.memory_space<vmem>>
    %dma_wait3A_145 = arith.constant 4096 : i32
    %dma_wait3A_146 = tpu.memref_slice %arg4[%select_n3A, %mul3A_32, %dma_wait3A_145] : memref<2x64x8192xf32, #tpu.memory_space<hbm>> -> memref<1x4x2048xf32, #tpu.memory_space<hbm>>
    %dma_wait3A_147 = tpu.memref_squeeze %dma_wait3A_146 : memref<1x4x2048xf32, #tpu.memory_space<hbm>> -> memref<4x2048xf32, #tpu.memory_space<hbm>>
    %dma_wait3A_148 = arith.constant 4096 : i32
    %dma_wait3A_149 = tpu.memref_slice %arg4[%select_n3A, %mul3A_32, %dma_wait3A_148] : memref<2x64x8192xf32, #tpu.memory_space<hbm>> -> memref<1x4x2048xf32, #tpu.memory_space<hbm>>
    %dma_wait3A_150 = tpu.memref_squeeze %dma_wait3A_149 : memref<1x4x2048xf32, #tpu.memory_space<hbm>> -> memref<4x2048xf32, #tpu.memory_space<hbm>>
    %dma_wait3A_151 = arith.constant 0 : i32
    %dma_wait3A_152 = arith.constant 4096 : i32
    %dma_wait3A_153 = tpu.memref_slice %arg7[%dma_wait3A_151, %dma_wait3A_152] : memref<4x8192xf32, #tpu.memory_space<vmem>> -> memref<4x2048xf32, #tpu.memory_space<vmem>>
    tpu.wait_dma2 semaphore(%arg10 : memref<!tpu.dma_semaphore, #tpu.memory_space<semaphore_mem>>) src(%dma_wait3A_153 : memref<4x2048xf32, #tpu.memory_space<vmem>>) dst(%dma_wait3A_150 : memref<4x2048xf32, #tpu.memory_space<hbm>>)
    %dma_wait3A_154 = arith.constant 0 : i32
    %dma_wait3A_155 = arith.constant 6144 : i32
    %dma_wait3A_156 = tpu.memref_slice %arg7[%dma_wait3A_154, %dma_wait3A_155] : memref<4x8192xf32, #tpu.memory_space<vmem>> -> memref<4x2048xf32, #tpu.memory_space<vmem>>
    %dma_wait3A_157 = arith.constant 6144 : i32
    %dma_wait3A_158 = tpu.memref_slice %arg4[%select_n3A, %mul3A_32, %dma_wait3A_157] : memref<2x64x8192xf32, #tpu.memory_space<hbm>> -> memref<1x4x2048xf32, #tpu.memory_space<hbm>>
    %dma_wait3A_159 = tpu.memref_squeeze %dma_wait3A_158 : memref<1x4x2048xf32, #tpu.memory_space<hbm>> -> memref<4x2048xf32, #tpu.memory_space<hbm>>
    %dma_wait3A_160 = arith.constant 6144 : i32
    %dma_wait3A_161 = tpu.memref_slice %arg4[%select_n3A, %mul3A_32, %dma_wait3A_160] : memref<2x64x8192xf32, #tpu.memory_space<hbm>> -> memref<1x4x2048xf32, #tpu.memory_space<hbm>>
    %dma_wait3A_162 = tpu.memref_squeeze %dma_wait3A_161 : memref<1x4x2048xf32, #tpu.memory_space<hbm>> -> memref<4x2048xf32, #tpu.memory_space<hbm>>
    %dma_wait3A_163 = arith.constant 0 : i32
    %dma_wait3A_164 = arith.constant 6144 : i32
    %dma_wait3A_165 = tpu.memref_slice %arg7[%dma_wait3A_163, %dma_wait3A_164] : memref<4x8192xf32, #tpu.memory_space<vmem>> -> memref<4x2048xf32, #tpu.memory_space<vmem>>
    tpu.wait_dma2 semaphore(%arg10 : memref<!tpu.dma_semaphore, #tpu.memory_space<semaphore_mem>>) src(%dma_wait3A_165 : memref<4x2048xf32, #tpu.memory_space<vmem>>) dst(%dma_wait3A_162 : memref<4x2048xf32, #tpu.memory_space<hbm>>)
    return
  }
}

</mosaic_0001>

<sc_bundles>
// kernel: kernel.3.cloned.1.call-start
scs
__scs_entry_jumppad:
0x0: {  	(pc) =	sbr.rel $0x88, $3  }
0x1: {  	(tag) =	ssettag $0x0;
	lr =	simm.s32 $0x1  }
0x2: {  	[smem:$0x3F9F] =	sst lr;
	_ =	strace $0xD0000000  }
0x3: {  	_ = 	snop  }
0x4: {  	_ = 	snop  }
0x5: {  	_ = 	snop  }
0x6: {  	_ = 	snop  }
0x7: {  	_ = 	snop  }
__scs_overlays_trampoline_lowered:
0x8: {  	[smem:$0x3FAE] =	sst s0  }
0x9: {  	[smem:$0x3FAF] =	sst s1  }
0xa: {  	[smem:$0x3FB0] =	sst s2  }
0xb: {  	[smem:$0x3FB1] =	sst s3  }
0xc: {  	[smem:$0x3FB2] =	sst s4  }
0xd: {  	[smem:$0x3FB3] =	sst s5  }
0xe: {  	[smem:$0x3FB4] =	sst s6  }
0xf: {  	[smem:$0x3FB5] =	sst s7  }
0x10: {  	[smem:$0x3FB6] =	sst s8  }
0x11: {  	[smem:$0x3FB7] =	sst s9;
	s0 =	simm.s32 @!p0 $0x0  }
0x12: {  	s1 =	sld [smem:$0x3F9D];
	s0 =	simm.s32 @p0 $0x1  }
0x13: {  	[smem:$0x3FB8] =	sst s0;
	s0 =	simm.s32 @!p1 $0x0  }
0x14: {  	s2 =	sld [smem:$0x3F9C];
	s0 =	simm.s32 @p1 $0x1  }
0x15: {  	[smem:$0x3FB9] =	sst s0;
	s0 =	simm.s32 @!p2 $0x0  }
0x16: {  	s3 =	sld [smem:$0x3FDB];
	s0 =	simm.s32 @p2 $0x1  }
0x17: {  	s4 =	simm.s32 $0x1BF5;
	[smem:$0x3FBB] =	sst s0  }
0x18: {  	s0 =	sld [smem:$0x3F9E];
	_ =	swait.ge [sflag:s4], $0x0  }
0x19: {  	s7 =	sld [smem:$0x3F9F]  }
0x1a: {  	s8 =	sadd.s32 $0xFFFFE003, lr  }
0x1b: {  	s9 =	sadd.s32 $0xFFFFFEF7, lr;
	s5 =	simm.s32 $0xFFFFFFFF;
	p2 =	slt.u32 s8, $0xFFFFF086  }
0x1c: {  	p1 =	slt.u32 s9, $0xF7A;
	s5 =	simm.s32 @!p2 $0x0  }
0x1d: {  	s5 =	simm.s32 @p1 $0x1;
	p0 =	seq.s32 s7, s2  }
0x1e: {  	s7 =	smul.u32 @!p0 $0xF7A, s2;
	p2 =	seq.s32 @!p0 s5, $0x0  }
0x1f: {  	s9 =	smul.u32 $0xF7A, s1;
	s8 =	simm.s32 @!p0 $0x1BF5;
	p2 =	por !p2, p0  }
0x20: {  	[sflag:s8] =	ssyncset.s32 @!p0 $0xFFFFF086;
	s6 =	sadd.s32 @!p0 s3, s7;
	s7 =	simm.s32 @!p0 $0x108  }
0x21: {  	s3 =	sadd.s32 s3, s9;
	s6 =	sadd.s32 @!p0 $0x88, s6;
	s7 =	simm.s32 @p2 $0x1082  }
0x22: {  	[simem:s7], [sflag:s8] =	dma.local @!p0 [hbm:s6], $0xF7A  }
0x23: {  	s9 =	sor.u32 $0xD0000000, s2;
	s6 =	simm.s32 $0x108;
	_ =	swait.ge @!p0 [sflag:s8], $0x0  }
0x24: {  	s3 =	sadd.s32 $0x88, s3;
	s6 =	simm.s32 @!p1 $0x1082;
	[sflag:s4] =	ssyncset.s32 $0xFFFFF086  }
0x25: {  	[simem:s6], [sflag:s4] =	dma.local [hbm:s3], $0xF7A  }
0x26: {  	[smem:$0x3F9F] =	sst s1;
	(tag) =	ssettag s2;
	_ =	strace s9  }
0x27: {  	s1 =	sld [smem:$0x3FAF]  }
0x28: {  	s2 =	sld [smem:$0x3FB0]  }
0x29: {  	s4 =	sld [smem:$0x3FB2]  }
0x2a: {  	p0 =	seq.s32 s5, $0x0;
	s5 =	sld [smem:$0x3FB3]  }
0x2b: {  	s6 =	sld [smem:$0x3FB4]  }
0x2c: {  	s7 =	sld [smem:$0x3FB5]  }
0x2d: {  	s3 =	simm.s32 $0x108;
	s8 =	sld [smem:$0x3FB6]  }
0x2e: {  	s3 =	simm.s32 @!p0 $0x1082;
	s9 =	sld [smem:$0x3FB7]  }
0x2f: {  	lr =	sadd.s32 s0, s3;
	s0 =	sld [smem:$0x3FAE]  }
0x30: {  	s3 =	sld [smem:$0x3FB1]  }
0x31: {  	[smem:$0x3FBA] =	sst s10  }
0x32: {  	s10 =	sld [smem:$0x3FB8];
	_ =	sdelay $0x3  }
0x33: {  	p0 =	seq.s32 s10, $0x1;
	s10 =	sld [smem:$0x3FBA];
	_ =	sdelay $0x3  }
0x34: {  	[smem:$0x3FBA] =	sst s10  }
0x35: {  	s10 =	sld [smem:$0x3FB9];
	_ =	sdelay $0x3  }
0x36: {  	p1 =	seq.s32 s10, $0x1;
	s10 =	sld [smem:$0x3FBA];
	_ =	sdelay $0x3  }
0x37: {  	[smem:$0x3FBA] =	sst s10  }
0x38: {  	s10 =	sld [smem:$0x3FBB]  }
0x39: {  	_ = 	snop;
	(pc) =	sbr.ind lr, $3  }
0x3a: {  	_ = 	snop  }
0x3b: {  	_ = 	snop  }
0x3c: {  	p2 =	seq.s32 s10, $0x1;
	s10 =	sld [smem:$0x3FBA]  }
0x3d: {  	_ =	shalt  }
0x3e: {  	_ =	shalt  }
0x3f: {  	_ =	shalt  }
0x40: {  	_ =	shalt  }
0x41: {  	_ =	shalt  }
0x42: {  	_ =	shalt  }
0x43: {  	_ =	shalt  }
0x44: {  	_ =	shalt  }
0x45: {  	_ =	shalt  }
0x46: {  	_ =	shalt  }
0x47: {  	_ =	shalt  }
0x48: {  	_ =	shalt  }
0x49: {  	_ =	shalt  }
0x4a: {  	_ =	shalt  }
0x4b: {  	_ =	shalt  }
0x4c: {  	_ =	shalt  }
0x4d: {  	_ =	shalt  }
0x4e: {  	_ =	shalt  }
0x4f: {  	_ =	shalt  }
0x50: {  	_ =	shalt  }
0x51: {  	_ =	shalt  }
0x52: {  	_ =	shalt  }
0x53: {  	_ =	shalt  }
0x54: {  	_ =	shalt  }
0x55: {  	_ =	shalt  }
0x56: {  	_ =	shalt  }
0x57: {  	_ =	shalt  }
0x58: {  	_ =	shalt  }
0x59: {  	_ =	shalt  }
0x5a: {  	_ =	shalt  }
0x5b: {  	_ =	shalt  }
0x5c: {  	_ =	shalt  }
0x5d: {  	_ =	shalt  }
0x5e: {  	_ =	shalt  }
0x5f: {  	_ =	shalt  }
0x60: {  	_ =	shalt  }
0x61: {  	_ =	shalt  }
0x62: {  	_ =	shalt  }
0x63: {  	_ =	shalt  }
0x64: {  	_ =	shalt  }
0x65: {  	_ =	shalt  }
0x66: {  	_ =	shalt  }
0x67: {  	_ =	shalt  }
0x68: {  	_ =	shalt  }
0x69: {  	_ =	shalt  }
0x6a: {  	_ =	shalt  }
0x6b: {  	_ =	shalt  }
0x6c: {  	_ =	shalt  }
0x6d: {  	_ =	shalt  }
0x6e: {  	_ =	shalt  }
0x6f: {  	_ =	shalt  }
0x70: {  	_ =	shalt  }
0x71: {  	_ =	shalt  }
0x72: {  	_ =	shalt  }
0x73: {  	_ =	shalt  }
0x74: {  	_ =	shalt  }
0x75: {  	_ =	shalt  }
0x76: {  	_ =	shalt  }
0x77: {  	_ =	shalt  }
0x78: {  	_ =	shalt  }
0x79: {  	_ =	shalt  }
0x7a: {  	_ =	shalt  }
0x7b: {  	_ =	shalt  }
0x7c: {  	_ =	shalt  }
0x7d: {  	_ =	shalt  }
0x7e: {  	_ =	shalt  }
0x7f: {  	_ =	shalt  }
0x80: {  	_ =	shalt  }
0x81: {  	_ =	shalt  }
0x82: {  	_ =	shalt  }
0x83: {  	_ =	shalt  }
0x84: {  	_ =	shalt  }
0x85: {  	_ =	shalt  }
0x86: {  	_ =	shalt  }
0x87: {  	_ =	shalt  }
.Lfunc_end0:
.L_simem_size_0:
called_computation_lowered:
.L_overlay_start_0:
0x88: {  	s2 =	sld [smem:$0x3FD9]  }
0x89: {  	s3 =	sld [smem:$0x3FFE];
	_ =	sdelay $0x1  }
0x8a: {  	s1 =	srdreg.scid  }
0x8b: {  	s0 =	sand.u32 $0x1, s1  }
0x8c: {  	s18 =	sshll.u32 s0, $0xA;
	s2 =	sadd.s32 s3, s2  }
0x8d: {  	s2 =	sadd.s32 s2, s18  }
0x8e: {  	[smem:$0x3FC6] =	sst s2  }
0x8f: {  	_ = 	snop  }
0x90: {  	s2 =	sld [smem:$0x3FC9]  }
0x91: {  	s19 =	sld [smem:$0x3FC8]  }
0x92: {  	s4 =	sld [smem:$0x3FD0];
	(tm) =	ssettm $0x1  }
0x93: {  	s5 =	sld [smem:$0x3FFB];
	_ =	sdelay $0x3  }
0x94: {  	_ =	strace s5  }
0x95: {  	s5 =	sld [smem:$0x3FFC];
	_ =	sdelay $0x3  }
0x96: {  	_ =	strace s5  }
0x97: {  	s5 =	sld [smem:$0x3FFD];
	_ =	sdelay $0x3  }
0x98: {  	_ =	strace s5  }
0x99: {  	_ =	strace $0x8FFFFFFF  }
0x9a: {  	s20 =	sld [smem:$0x3FDB];
	_ =	sdelay $0x1  }
0x9b: {  	s6 =	simm.s32 $_scs_section_size  }
0x9c: {  	s7 =	simm.s32 $_size__tile_overlayer_lowered;
	s8 =	simm.s32 $_tile_overlayer_lowered  }
0x9d: {  	s23 =	simm.s32 $0x1BFF;
	s22 =	sshll.u32 s8, $0x1;
	s5 =	sadd.s32 s6, s20  }
0x9e: {  	s9 =	simm.s32 $0x0;
	s21 =	sshll.u32 s7, $0x1;
	s7 =	sadd.s32 s22, s5  }
0x9f: {  	[timem:s9], [sflag:s23] =	dma.local [hbm:s7], s21  }
0xa0: {  	_ =	swait.ge [sflag:s23], s21  }
0xa1: {  	s6 =	ssub.s32 $0x0, s21;
	[sflag:s23] =	ssyncset.done $0x0  }
0xa2: {  	[sflag:s23] =	ssyncadd.s32 s6;
	_ =	sdelay $0x1  }
0xa3: {  	s24 =	simm.s32 $0x1B8B  }
0xa4: {  	_ =	swait.ge [sflag:s24], $0x1  }
0xa5: {  	[sflag:s24] =	ssyncset.done $0x0  }
0xa6: {  	s25 =	simm.s32 $0x1B8E;
	[sflag:s24] =	ssyncadd.s32 $0xFFFFFFFF  }
0xa7: {  	s26 =	simm.s32 $execute0_lowered;
	[smem:$0x3FD2] =	sst s25  }
0xa8: {  	s6 =	sshll.u32 s26, $0x1;
	_ =	strace $0x80000046;
	[dreg:$0x1] =	wrdreg $0xFFFFFFFF  }
0xa9: {  	s28 =	simm.s32 $_size_execute0_lowered;
	s5 =	sadd.s32 s5, s6;
	[dreg:$0x0] =	wrdreg $0x0  }
0xaa: {  	s6 =	sshll.u32 s28, $0x1;
	[dreg:$0x2] =	wrdreg s5  }
0xab: {  	[dreg:$0x3] =	wrdreg s6  }
0xac: {  	[dreg:$0x4] =	wrdreg $0xC0  }
0xad: {  	_ =	task [dreg:s9], $0x5FFFF  }
0xae: {  	[dreg:$0x1] =	wrdreg $0xFFFFFFFF  }
0xaf: {  	[dreg:$0x0] =	wrdreg $0x60  }
0xb0: {  	[dreg:$0x2] =	wrdreg s2  }
0xb1: {  	[dreg:$0x3] =	wrdreg s19  }
0xb2: {  	[dreg:$0x4] =	wrdreg s4  }
0xb3: {  	[dreg:$0x5] =	wrdreg $0x9  }
0xb4: {  	_ =	task.clear_ibuf [dreg:s9], $0x6FFFF;
	_ =	strace $0x90000046  }
0xb5: {  	s29 =	simm.s32 $0x9;
	_ =	strace $0x80000048  }
0xb6: {  	_ =	swait.ge [sflag:s29], $0x1  }
0xb7: {  	[sflag:s29] =	ssyncadd.s32 $0xFFFFFFFF  }
0xb8: {  	_ =	strace $0x90000048  }
0xb9: {  	_ =	sfence  }
0xba: {  	s30 =	sld [smem:$0x0];
	_ =	sdelay $0x2  }
0xbb: {  	s31 =	sshll.u32 s1, $0xD;
	s1 =	sshrl.u32 s1, $0x2  }
0xbc: {  	s3 =	sand.u32 $0x4000, s31;
	s1 =	sadd.s32 s1, s30  }
0xbd: {  	s0 =	sor.u32 s3, s0;
	s1 =	sshll.u32 s1, $0x11  }
0xbe: {  	s0 =	sor.u32 s1, s0  }
0xbf: {  	s0 =	sadd.s32 $0x8F2B, s0  }
0xc0: {  	[sflag:s0] =	ssyncadd.remote.s32 $0x1  }
0xc1: {  	_ =	sfence.sel $0xFFFF  }
0xc2: {  	[dreg:$0x0] =	wrdreg $0xFFFFFFFF;
	(pc) =	sbr.abs _section_cstart, $3  }
0xc3: {  	[dreg:$0x1] =	wrdreg $0xFFFFFFFF  }
0xc4: {  	_ =	task.clear_ibuf [dreg:s9], $0x2FFFF;
	_ =	strace $0x9FFFFFFF  }
0xc5: {  	(tm) =	ssettm $0x7FFFFFFF  }
tec
execute0_lowered:
.L_overlay_start_1:
0x0: {  	(tag) =	ssettag $0x1  }
0x1: {  	s0 =	rddreg [dreg:$0x0]  }
0x2: {  	s1 =	rddreg [dreg:$0x2];
	s3 =	srdreg.scid;
	s2 =	simm.s32 $0x0  }
0x3: {  	s6 =	stileid.u32;
	s13 =	simm.s32 $0x2;
	s15 =	simm.s32 $0x1  }
0x4: {  	s16 =	simm.s32 $0x200;
	s17 =	simm.s32 $0x400;
	s22 =	simm.s32 $0x3  }
0x5: {  	s23 =	simm.s32 $0x0;
	s3 =	sand.u32 $0x1, s3;
	[smem:$0x7FF] =	sst s2  }
0x6: {  	s28 =	sshrl.u32 s6, $0x3;
	s29 =	sshll.u32 s6, $0xD;
	s6 =	sshll.u32 s6, $0x1  }
0x7: {  	s4 =	ssub.s32 $0x2, s3;
	_ =	strace $0x80000047;
	s7 =	sshll.u32 s28, $0x10  }
0x8: {  	s6 =	sand.u32 $0xE, s6;
	s30 =	sshll.u32 s3, $0x6;
	s5 =	sshrl.u32 s4, $0x1  }
0x9: {  	s3 =	sor.u32 s3, s6;
	s9 =	ssub.s32 s4, s5;
	s5 =	sand.u32 $0xE000, s29  }
0xa: {  	s4 =	sshll.u32 s28, $0x4;
	s31 =	sshll.u32 s3, $0x4;
	s5 =	sor.u32 s5, s7  }
0xb: {  	s0 =	sadd.s32 s0, s4;
	s9 =	smax.u32 s9, $0x1;
	s5 =	sor.u32 s30, s5  }
0xc: {  	s14 =	sshrl.u32 s31, $0x2;
	[dreg:$0x4] =	wrdreg s0;
	s5 =	sadd.s32 s1, s5  }
0xd: {  	s6 =	sadd.s32 $0x800, s5;
	s7 =	sadd.s32 $0x1000, s5;
	s8 =	sadd.s32 $0x1800, s5  }
.LBB2_1:
0xe: {  	s0 =	rddreg [dreg:$0x1];
	s1 =	simm.s32 $0x2000  }
0xf: {  	[tilespmem:s1], [sflag:$0x2] =	stream.linear.gather [hbm4b:s0+s2], $0x40, $0x38;
	[tilespmem:$0xA080] =	vst v63  }
0x10: {  	s18 =	rddreg [dreg:$0x4];
	s19 =	simm.s32 $0x80;
	s3 =	simm.s32 $0x100  }
0x11: {  	[tilespmem:s2], [sflag:$0x1] =	stream.strided.gather [hbm4b:s18+s19], $0x2000, s3, s19, $0x38;
	[tilespmem:$0xA080] =	vst v63  }
0x12: {  	_ =	swait.ge [sflag:s13], $0x40  }
0x13: {  	[sflag:s13] =	ssyncset.done $0x0  }
0x14: {  	s25 =	simm.s32 $0x0;
	[sflag:s13] =	ssyncadd.s32 $0xFFFFFFC0  }
0x15: {  	s24 =	sand.u32 $0x40, s25;
	v2 =	vld [tilespmem:s14+$0x2000];
	_ =	swait.ge [sflag:s15], $0x2000  }
0x16: {  	s20 =	sand.u32 $0x780, s25;
	s21 =	sor.u32 $0x30, s24;
	[sflag:s15] =	ssyncset.done $0x0  }
0x17: {  	s10 =	sor.u32 s21, s20;
	[sflag:s15] =	ssyncadd.s32 $0xFFFFE000  }
0x18: {  	v4 =	vld [tilespmem:s10+$0x0]  }
0x19: {  	s4 =	sor.u32 $0x10, s24  }
0x1a: {  	s26 =	sor.u32 $0x20, s24;
	s11 =	sor.u32 s4, s20  }
0x1b: {  	s0 =	sor.u32 s26, s20;
	v5 =	vld [tilespmem:s11+$0x0]  }
0x1c: {  	v6 =	vld [tilespmem:s0+$0x0]  }
0x1d: {  	v0 =	vbroadcast v2, $0x1;
	v8 =	vcvt.s32.f32 v4  }
0x1e: {  	p0 =	por $0x0, $0x0;
	s0 =	simm.s32 $0x1;
	s11 =	sand.u32 $0x1E00, s2  }
0x1f: {  	s0 =	simm.s32 @!p0 $0x0;
	s29 =	sor.u32 $0x2080, s11;
	v3 =	vbroadcast v2, $0x0;
	v10 =	vmul.f32 v8, v0  }
0x20: {  	s12 =	simm.s32 $0x0;
	v1 =	vbroadcast v2, $0x2;
	s0 =	sshll.u32 s0, $0x6;
	s18 =	sor.u32 s21, s29;
	v9 =	vcvt.s32.f32 v5  }
0x21: {  	v2 =	vbroadcast v2, $0x3;
	s30 =	sadd.s32 $0x0, s0;
	v4 =	vcvt.s32.f32 v6;
	[tilespmem:s18+$0x80] =	vst v10;
	v10 =	vld [tilespmem:s12+$0x0]  }
0x22: {  	s31 =	sor.u32 s4, s29;
	s19 =	sadd.s32 $0x10, s30;
	v7 =	vmul.f32 v8, v3;
	v5 =	vmul.f32 v9, v3  }
0x23: {  	s20 =	sadd.s32 $0x20, s30;
	s21 =	sadd.s32 $0x30, s30;
	s11 =	sor.u32 $0x100, s19;
	v6 =	vmul.f32 v9, v0;
	v12 =	vmul.f32 v8, v1  }
0x24: {  	s1 =	sor.u32 $0x180, s19;
	s28 =	sor.u32 $0x100, s21;
	s0 =	sor.u32 $0x100, s20;
	v11 =	vmul.f32 v8, v2;
	v8 =	vmul.f32 v4, v3;
	[tilespmem:s18+$0x0] =	vst v7  }
0x25: {  	s3 =	sor.u32 $0x180, s20;
	v7 =	vmul.f32 v9, v1;
	v9 =	vmul.f32 v9, v2;
	s12 =	sor.u32 $0x180, s21;
	[tilespmem:s28+$0x2080] =	vst v12;
	s28 =	simm.s32 $0x0  }
.LBB2_2:
0x26: {  	s25 =	sadd.s32 $0x40, s25;
	v10 =	vcvt.s32.f32 v10;
	s18 =	sor.u32 $0x100, s30;
	s10 =	sor.u32 $0x180, s30;
	v12 =	vmul.f32 v4, v0;
	[tilespmem:s12+$0x2080] =	vst v11  }
0x27: {  	s12 =	sor.u32 s24, s29;
	s29 =	sor.u32 s26, s29;
	s24 =	sand.u32 $0x40, s25;
	[tilespmem:s31+$0x0] =	vst v5;
	v5 =	vmul.f32 v4, v1;
	v4 =	vmul.f32 v4, v2  }
0x28: {  	s30 =	sand.u32 $0x780, s25;
	s19 =	sor.u32 $0x10, s24;
	s20 =	sor.u32 $0x30, s24;
	v11 =	vmul.f32 v10, v3;
	v13 =	vmul.f32 v10, v0;
	[tilespmem:s31+$0x80] =	vst v6  }
0x29: {  	s26 =	sor.u32 $0x20, s24;
	v6 =	vmul.f32 v10, v1;
	v14 =	vmul.f32 v10, v2;
	s31 =	sor.u32 s19, s30;
	s21 =	sor.u32 s20, s30;
	[tilespmem:s11+$0x2080] =	vst v7  }
0x2a: {  	p1 =	slt.u32 s25, $0x7C0;
	s11 =	sor.u32 s26, s30;
	v7 =	vld [tilespmem:s21+$0x0];
	[tilespmem:s1+$0x2080] =	vst v9  }
0x2b: {  	v9 =	vld [tilespmem:s31+$0x0];
	[tilespmem:s29+$0x0] =	vst v8  }
0x2c: {  	v8 =	vld [tilespmem:s11+$0x0];
	[tilespmem:s29+$0x80] =	vst v12  }
0x2d: {  	[tilespmem:s0+$0x2080] =	vst v5  }
0x2e: {  	[tilespmem:s3+$0x2080] =	vst v4  }
0x2f: {  	s28 =	sadd.s32 $0x100, s28;
	p0 =	por !p0, !p0;
	s0 =	simm.s32 $0x1;
	v12 =	vcvt.s32.f32 v7;
	[tilespmem:s12+$0x0] =	vst v11  }
0x30: {  	s1 =	sshra.s32 s28, $0x2;
	s0 =	simm.s32 @!p0 $0x0;
	s3 =	sand.u32 $0x1E00, s28;
	v9 =	vcvt.s32.f32 v9;
	[tilespmem:s12+$0x80] =	vst v13  }
.Ltmp0:
0x31: {  	s0 =	sshll.u32 s0, $0x6;
	s29 =	sor.u32 $0x2080, s3;
	v10 =	vld [tilespmem:s1+$0x0];
	v4 =	vcvt.s32.f32 v8;
	v7 =	vmul.f32 v12, v3;
	[tilespmem:s18+$0x2080] =	vst v6;
	(pc) =	sbr.rel @p1 .LBB2_2-.Ltmp0, $4  }
0x32: {  	s30 =	sadd.s32 s0, s28;
	s31 =	sor.u32 s19, s29;
	s0 =	sor.u32 s20, s29;
	v8 =	vmul.f32 v12, v0;
	v5 =	vmul.f32 v9, v3;
	[tilespmem:s10+$0x2080] =	vst v14  }
0x33: {  	s1 =	sadd.s32 $0x10, s30;
	s3 =	sadd.s32 $0x20, s30;
	v13 =	vmul.f32 v12, v1;
	v6 =	vmul.f32 v9, v0;
	s10 =	sadd.s32 $0x30, s30;
	[tilespmem:s0+$0x0] =	vst v7  }
0x34: {  	v11 =	vmul.f32 v12, v2;
	s11 =	sor.u32 $0x100, s1;
	s1 =	sor.u32 $0x180, s1;
	v7 =	vmul.f32 v9, v1;
	s12 =	sor.u32 $0x100, s10;
	[tilespmem:s0+$0x80] =	vst v8  }
0x35: {  	v9 =	vmul.f32 v9, v2;
	v8 =	vmul.f32 v4, v3;
	s0 =	sor.u32 $0x100, s3;
	s3 =	sor.u32 $0x180, s3;
	[tilespmem:s12+$0x2080] =	vst v13;
	s12 =	sor.u32 $0x180, s10  }
0x36: {  	[tilespmem:s12+$0x2080] =	vst v11  }
0x37: {  	[tilespmem:s31+$0x0] =	vst v5  }
0x38: {  	[tilespmem:s31+$0x80] =	vst v6  }
0x39: {  	s10 =	sor.u32 s26, s29;
	[tilespmem:s11+$0x2080] =	vst v7  }
0x3a: {  	v5 =	vmul.f32 v4, v0;
	[tilespmem:s10+$0x0] =	vst v8  }
0x3b: {  	v6 =	vcvt.s32.f32 v10;
	v7 =	vmul.f32 v4, v1;
	[tilespmem:s1+$0x2080] =	vst v9  }
0x3c: {  	v4 =	vmul.f32 v4, v2;
	[tilespmem:s10+$0x80] =	vst v5  }
0x3d: {  	v5 =	vmul.f32 v6, v3;
	[tilespmem:s0+$0x2080] =	vst v7  }
0x3e: {  	s1 =	sor.u32 s24, s29;
	v7 =	vmul.f32 v6, v0;
	[tilespmem:s3+$0x2080] =	vst v4  }
0x3f: {  	s25 =	simm.s32 $0x800;
	v4 =	vmul.f32 v6, v1;
	[tilespmem:s1+$0x0] =	vst v5  }
0x40: {  	s24 =	sand.u32 $0x40, s25;
	s3 =	sor.u32 $0x100, s30;
	v5 =	vmul.f32 v6, v2;
	[tilespmem:s1+$0x80] =	vst v7  }
0x41: {  	s4 =	sor.u32 $0x180, s30;
	s11 =	sand.u32 $0xF80, s25;
	s12 =	sor.u32 $0x30, s24;
	[tilespmem:s3+$0x2080] =	vst v4  }
0x42: {  	s10 =	simm.s32 $0x2080;
	s19 =	sor.u32 s12, s11;
	[tilespmem:s4+$0x2080] =	vst v5  }
0x43: {  	[hbm4b:s5+s16] =	stream.strided.scatter [tilespmem:s10], [sflag:$0x3], $0x2000, s17, s16, $0x38;
	[tilespmem:$0xA080] =	vst v63  }
0x44: {  	v4 =	vld [tilespmem:s19+$0x0]  }
0x45: {  	s18 =	sor.u32 $0x10, s24  }
0x46: {  	s26 =	sor.u32 $0x20, s24;
	s20 =	sor.u32 s18, s11  }
0x47: {  	s0 =	sor.u32 s26, s11;
	v5 =	vld [tilespmem:s20+$0x0]  }
0x48: {  	v6 =	vld [tilespmem:s0+$0x0]  }
0x49: {  	s28 =	simm.s32 $0x2000;
	v8 =	vcvt.s32.f32 v4  }
0x4a: {  	s21 =	sand.u32 $0x3E00, s28  }
0x4b: {  	p0 =	por $0x0, $0x0;
	s29 =	sadd.s32 $0x2080, s21;
	s0 =	simm.s32 $0x1;
	v10 =	vmul.f32 v8, v0  }
0x4c: {  	s4 =	simm.s32 $0x800;
	s19 =	sor.u32 s12, s29;
	s0 =	simm.s32 @!p0 $0x0;
	v9 =	vcvt.s32.f32 v5  }
0x4d: {  	s0 =	sshll.u32 s0, $0x6;
	v4 =	vcvt.s32.f32 v6;
	[tilespmem:s19+$0x80] =	vst v10;
	v10 =	vld [tilespmem:s4+$0x0]  }
0x4e: {  	s31 =	sor.u32 s18, s29;
	s30 =	sadd.s32 $0x2000, s0;
	v7 =	vmul.f32 v8, v3;
	v6 =	vmul.f32 v9, v3  }
0x4f: {  	s20 =	sadd.s32 $0x10, s30;
	s21 =	sadd.s32 $0x20, s30;
	s18 =	sadd.s32 $0x30, s30;
	v5 =	vmul.f32 v9, v0;
	v12 =	vmul.f32 v8, v1  }
0x50: {  	s11 =	sor.u32 $0x100, s20;
	s10 =	sor.u32 $0x180, s20;
	v11 =	vmul.f32 v8, v2;
	v8 =	vmul.f32 v4, v3;
	[tilespmem:s19+$0x0] =	vst v7;
	s19 =	sor.u32 $0x100, s18  }
0x51: {  	s1 =	sor.u32 $0x100, s21;
	s0 =	sor.u32 $0x180, s21;
	s12 =	sor.u32 $0x180, s18;
	v7 =	vmul.f32 v9, v1;
	v9 =	vmul.f32 v9, v2;
	[tilespmem:s19+$0x2080] =	vst v12  }
.LBB2_4:
0x52: {  	s25 =	sadd.s32 $0x40, s25;
	v10 =	vcvt.s32.f32 v10;
	s18 =	sor.u32 $0x100, s30;
	s3 =	sor.u32 $0x180, s30;
	v12 =	vmul.f32 v4, v0;
	[tilespmem:s12+$0x2080] =	vst v11  }
0x53: {  	s12 =	sor.u32 s24, s29;
	s19 =	sor.u32 s26, s29;
	s24 =	sand.u32 $0x40, s25;
	[tilespmem:s31+$0x0] =	vst v6;
	v6 =	vmul.f32 v4, v1;
	v4 =	vmul.f32 v4, v2  }
0x54: {  	s21 =	sand.u32 $0xF80, s25;
	s20 =	sor.u32 $0x10, s24;
	s4 =	sor.u32 $0x30, s24;
	v11 =	vmul.f32 v10, v3;
	v13 =	vmul.f32 v10, v0;
	[tilespmem:s31+$0x80] =	vst v5  }
0x55: {  	s26 =	sor.u32 $0x20, s24;
	v5 =	vmul.f32 v10, v1;
	v14 =	vmul.f32 v10, v2;
	s29 =	sor.u32 s20, s21;
	s30 =	sor.u32 s4, s21;
	[tilespmem:s11+$0x2080] =	vst v7  }
0x56: {  	p1 =	slt.u32 s25, $0xFC0;
	s11 =	sor.u32 s26, s21;
	v7 =	vld [tilespmem:s30+$0x0];
	[tilespmem:s10+$0x2080] =	vst v9  }
0x57: {  	v9 =	vld [tilespmem:s29+$0x0];
	[tilespmem:s19+$0x0] =	vst v8  }
0x58: {  	v8 =	vld [tilespmem:s11+$0x0];
	[tilespmem:s19+$0x80] =	vst v12  }
0x59: {  	[tilespmem:s1+$0x2080] =	vst v6  }
0x5a: {  	[tilespmem:s0+$0x2080] =	vst v4  }
0x5b: {  	p0 =	por !p0, !p0;
	s28 =	sadd.s32 $0x100, s28;
	s0 =	simm.s32 $0x1;
	v12 =	vcvt.s32.f32 v7;
	[tilespmem:s12+$0x0] =	vst v11  }
0x5c: {  	s10 =	sand.u32 $0x3E00, s28;
	s1 =	sshra.s32 s28, $0x2;
	s0 =	simm.s32 @!p0 $0x0;
	v9 =	vcvt.s32.f32 v9;
	[tilespmem:s12+$0x80] =	vst v13  }
.Ltmp1:
0x5d: {  	s29 =	sadd.s32 $0x2080, s10;
	s0 =	sshll.u32 s0, $0x6;
	v10 =	vld [tilespmem:s1+$0x0];
	v4 =	vcvt.s32.f32 v8;
	v7 =	vmul.f32 v12, v3;
	[tilespmem:s18+$0x2080] =	vst v5;
	(pc) =	sbr.rel @p1 .LBB2_4-.Ltmp1, $4  }
0x5e: {  	s31 =	sor.u32 s20, s29;
	s30 =	sadd.s32 s28, s0;
	s0 =	sor.u32 s4, s29;
	v8 =	vmul.f32 v12, v0;
	v6 =	vmul.f32 v9, v3;
	[tilespmem:s3+$0x2080] =	vst v14  }
0x5f: {  	v13 =	vmul.f32 v12, v1;
	v5 =	vmul.f32 v9, v0;
	s1 =	sadd.s32 $0x10, s30;
	s3 =	sadd.s32 $0x20, s30;
	s4 =	sadd.s32 $0x30, s30;
	[tilespmem:s0+$0x0] =	vst v7  }
0x60: {  	v11 =	vmul.f32 v12, v2;
	v7 =	vmul.f32 v9, v1;
	s11 =	sor.u32 $0x100, s1;
	s10 =	sor.u32 $0x180, s1;
	s12 =	sor.u32 $0x100, s4;
	[tilespmem:s0+$0x80] =	vst v8  }
0x61: {  	v9 =	vmul.f32 v9, v2;
	s1 =	sor.u32 $0x100, s3;
	v8 =	vmul.f32 v4, v3;
	s0 =	sor.u32 $0x180, s3;
	[tilespmem:s12+$0x2080] =	vst v13;
	s12 =	sor.u32 $0x180, s4  }
0x62: {  	[tilespmem:s12+$0x2080] =	vst v11  }
0x63: {  	[tilespmem:s31+$0x0] =	vst v6  }
0x64: {  	[tilespmem:s31+$0x80] =	vst v5  }
0x65: {  	s3 =	sor.u32 s26, s29;
	[tilespmem:s11+$0x2080] =	vst v7  }
0x66: {  	v5 =	vmul.f32 v4, v0;
	[tilespmem:s3+$0x0] =	vst v8  }
0x67: {  	v6 =	vcvt.s32.f32 v10;
	v7 =	vmul.f32 v4, v1;
	[tilespmem:s10+$0x2080] =	vst v9  }
0x68: {  	v4 =	vmul.f32 v4, v2;
	[tilespmem:s3+$0x80] =	vst v5  }
0x69: {  	v5 =	vmul.f32 v6, v3;
	[tilespmem:s1+$0x2080] =	vst v7  }
0x6a: {  	s4 =	sor.u32 s24, s29;
	v7 =	vmul.f32 v6, v0;
	[tilespmem:s0+$0x2080] =	vst v4  }
0x6b: {  	s25 =	simm.s32 $0x1000;
	v4 =	vmul.f32 v6, v1;
	[tilespmem:s4+$0x0] =	vst v5  }
0x6c: {  	s24 =	sand.u32 $0x40, s25;
	s10 =	sor.u32 $0x100, s30;
	v5 =	vmul.f32 v6, v2;
	[tilespmem:s4+$0x80] =	vst v7  }
0x6d: {  	s11 =	sor.u32 $0x180, s30;
	s18 =	sand.u32 $0x1F80, s25;
	s19 =	sor.u32 $0x30, s24;
	[tilespmem:s10+$0x2080] =	vst v4  }
0x6e: {  	s12 =	simm.s32 $0x4080;
	s4 =	sor.u32 s19, s18;
	[tilespmem:s11+$0x2080] =	vst v5  }
0x6f: {  	[hbm4b:s6+s16] =	stream.strided.scatter [tilespmem:s12], [sflag:$0x3], $0x2000, s17, s16, $0x38;
	[tilespmem:$0xA080] =	vst v63  }
0x70: {  	v4 =	vld [tilespmem:s4+$0x0]  }
0x71: {  	s20 =	sor.u32 $0x10, s24  }
0x72: {  	s26 =	sor.u32 $0x20, s24;
	s21 =	sor.u32 s20, s18  }
0x73: {  	s0 =	sor.u32 s26, s18;
	v5 =	vld [tilespmem:s21+$0x0]  }
0x74: {  	v6 =	vld [tilespmem:s0+$0x0]  }
0x75: {  	s28 =	simm.s32 $0x4000;
	v8 =	vcvt.s32.f32 v4  }
0x76: {  	s11 =	sand.u32 $0x7E00, s28  }
0x77: {  	p0 =	por $0x0, $0x0;
	s29 =	sadd.s32 $0x2080, s11;
	s0 =	simm.s32 $0x1;
	v10 =	vmul.f32 v8, v0  }
0x78: {  	s12 =	simm.s32 $0x1000;
	s18 =	sor.u32 s19, s29;
	s0 =	simm.s32 @!p0 $0x0;
	v9 =	vcvt.s32.f32 v5  }
0x79: {  	s0 =	sshll.u32 s0, $0x6;
	v4 =	vcvt.s32.f32 v6;
	[tilespmem:s18+$0x80] =	vst v10;
	v10 =	vld [tilespmem:s12+$0x0]  }
0x7a: {  	s31 =	sor.u32 s20, s29;
	s30 =	sadd.s32 $0x4000, s0;
	v7 =	vmul.f32 v8, v3;
	v6 =	vmul.f32 v9, v3  }
0x7b: {  	s19 =	sadd.s32 $0x10, s30;
	s20 =	sadd.s32 $0x20, s30;
	s21 =	sadd.s32 $0x30, s30;
	v5 =	vmul.f32 v9, v0;
	v12 =	vmul.f32 v8, v1  }
0x7c: {  	s11 =	sor.u32 $0x100, s19;
	s10 =	sor.u32 $0x180, s19;
	v11 =	vmul.f32 v8, v2;
	v8 =	vmul.f32 v4, v3;
	[tilespmem:s18+$0x0] =	vst v7;
	s18 =	sor.u32 $0x100, s21  }
0x7d: {  	s1 =	sor.u32 $0x100, s20;
	s0 =	sor.u32 $0x180, s20;
	v7 =	vmul.f32 v9, v1;
	v9 =	vmul.f32 v9, v2;
	s12 =	sor.u32 $0x180, s21;
	[tilespmem:s18+$0x2080] =	vst v12  }
.LBB2_6:
0x7e: {  	s25 =	sadd.s32 $0x40, s25;
	v10 =	vcvt.s32.f32 v10;
	s4 =	sor.u32 $0x100, s30;
	s3 =	sor.u32 $0x180, s30;
	v12 =	vmul.f32 v4, v0;
	[tilespmem:s12+$0x2080] =	vst v11  }
0x7f: {  	s12 =	sor.u32 s24, s29;
	s18 =	sor.u32 s26, s29;
	s24 =	sand.u32 $0x40, s25;
	[tilespmem:s31+$0x0] =	vst v6;
	v6 =	vmul.f32 v4, v1;
	v4 =	vmul.f32 v4, v2  }
0x80: {  	s20 =	sand.u32 $0x1F80, s25;
	s19 =	sor.u32 $0x10, s24;
	s21 =	sor.u32 $0x30, s24;
	v11 =	vmul.f32 v10, v3;
	v13 =	vmul.f32 v10, v0;
	[tilespmem:s31+$0x80] =	vst v5  }
0x81: {  	s26 =	sor.u32 $0x20, s24;
	v5 =	vmul.f32 v10, v1;
	v14 =	vmul.f32 v10, v2;
	s29 =	sor.u32 s19, s20;
	s30 =	sor.u32 s21, s20;
	[tilespmem:s11+$0x2080] =	vst v7  }
0x82: {  	p1 =	slt.u32 s25, $0x17C0;
	s11 =	sor.u32 s26, s20;
	v7 =	vld [tilespmem:s30+$0x0];
	[tilespmem:s10+$0x2080] =	vst v9  }
0x83: {  	v9 =	vld [tilespmem:s29+$0x0];
	[tilespmem:s18+$0x0] =	vst v8  }
0x84: {  	v8 =	vld [tilespmem:s11+$0x0];
	[tilespmem:s18+$0x80] =	vst v12  }
0x85: {  	[tilespmem:s1+$0x2080] =	vst v6  }
0x86: {  	[tilespmem:s0+$0x2080] =	vst v4  }
0x87: {  	p0 =	por !p0, !p0;
	s28 =	sadd.s32 $0x100, s28;
	s0 =	simm.s32 $0x1;
	v12 =	vcvt.s32.f32 v7;
	[tilespmem:s12+$0x0] =	vst v11  }
0x88: {  	s10 =	sand.u32 $0x7E00, s28;
	s1 =	sshra.s32 s28, $0x2;
	s0 =	simm.s32 @!p0 $0x0;
	v9 =	vcvt.s32.f32 v9;
	[tilespmem:s12+$0x80] =	vst v13  }
.Ltmp2:
0x89: {  	s29 =	sadd.s32 $0x2080, s10;
	s0 =	sshll.u32 s0, $0x6;
	v10 =	vld [tilespmem:s1+$0x0];
	v4 =	vcvt.s32.f32 v8;
	v7 =	vmul.f32 v12, v3;
	[tilespmem:s4+$0x2080] =	vst v5;
	(pc) =	sbr.rel @p1 .LBB2_6-.Ltmp2, $4  }
0x8a: {  	s31 =	sor.u32 s19, s29;
	s30 =	sadd.s32 s28, s0;
	s0 =	sor.u32 s21, s29;
	v8 =	vmul.f32 v12, v0;
	v6 =	vmul.f32 v9, v3;
	[tilespmem:s3+$0x2080] =	vst v14  }
0x8b: {  	v13 =	vmul.f32 v12, v1;
	v5 =	vmul.f32 v9, v0;
	s1 =	sadd.s32 $0x10, s30;
	s3 =	sadd.s32 $0x20, s30;
	s4 =	sadd.s32 $0x30, s30;
	[tilespmem:s0+$0x0] =	vst v7  }
0x8c: {  	v11 =	vmul.f32 v12, v2;
	v7 =	vmul.f32 v9, v1;
	s11 =	sor.u32 $0x100, s1;
	s10 =	sor.u32 $0x180, s1;
	s12 =	sor.u32 $0x100, s4;
	[tilespmem:s0+$0x80] =	vst v8  }
0x8d: {  	v9 =	vmul.f32 v9, v2;
	s1 =	sor.u32 $0x100, s3;
	v8 =	vmul.f32 v4, v3;
	s0 =	sor.u32 $0x180, s3;
	[tilespmem:s12+$0x2080] =	vst v13;
	s12 =	sor.u32 $0x180, s4  }
0x8e: {  	[tilespmem:s12+$0x2080] =	vst v11  }
0x8f: {  	[tilespmem:s31+$0x0] =	vst v6  }
0x90: {  	[tilespmem:s31+$0x80] =	vst v5  }
0x91: {  	s3 =	sor.u32 s26, s29;
	[tilespmem:s11+$0x2080] =	vst v7  }
0x92: {  	v5 =	vmul.f32 v4, v0;
	[tilespmem:s3+$0x0] =	vst v8  }
0x93: {  	v6 =	vcvt.s32.f32 v10;
	v7 =	vmul.f32 v4, v1;
	[tilespmem:s10+$0x2080] =	vst v9  }
0x94: {  	v4 =	vmul.f32 v4, v2;
	[tilespmem:s3+$0x80] =	vst v5  }
0x95: {  	v5 =	vmul.f32 v6, v3;
	[tilespmem:s1+$0x2080] =	vst v7  }
0x96: {  	s4 =	sor.u32 s24, s29;
	v7 =	vmul.f32 v6, v0;
	[tilespmem:s0+$0x2080] =	vst v4  }
0x97: {  	s25 =	simm.s32 $0x1800;
	v4 =	vmul.f32 v6, v1;
	[tilespmem:s4+$0x0] =	vst v5  }
0x98: {  	s24 =	sand.u32 $0x40, s25;
	s10 =	sor.u32 $0x100, s30;
	v5 =	vmul.f32 v6, v2;
	[tilespmem:s4+$0x80] =	vst v7  }
0x99: {  	s11 =	sor.u32 $0x180, s30;
	s18 =	sand.u32 $0x1F80, s25;
	s19 =	sor.u32 $0x30, s24;
	[tilespmem:s10+$0x2080] =	vst v4  }
0x9a: {  	s12 =	simm.s32 $0x6080;
	s4 =	sor.u32 s19, s18;
	[tilespmem:s11+$0x2080] =	vst v5  }
0x9b: {  	[hbm4b:s7+s16] =	stream.strided.scatter [tilespmem:s12], [sflag:$0x3], $0x2000, s17, s16, $0x38;
	[tilespmem:$0xA080] =	vst v63  }
0x9c: {  	v4 =	vld [tilespmem:s4+$0x0]  }
0x9d: {  	s20 =	sor.u32 $0x10, s24  }
0x9e: {  	s26 =	sor.u32 $0x20, s24;
	s21 =	sor.u32 s20, s18  }
0x9f: {  	s0 =	sor.u32 s26, s18;
	v5 =	vld [tilespmem:s21+$0x0]  }
0xa0: {  	v6 =	vld [tilespmem:s0+$0x0]  }
0xa1: {  	s28 =	simm.s32 $0x6000;
	v8 =	vcvt.s32.f32 v4  }
0xa2: {  	s11 =	sand.u32 $0x7E00, s28  }
0xa3: {  	p0 =	por $0x0, $0x0;
	s29 =	sadd.s32 $0x2080, s11;
	s0 =	simm.s32 $0x1;
	v10 =	vmul.f32 v8, v0  }
0xa4: {  	s12 =	simm.s32 $0x1800;
	s18 =	sor.u32 s19, s29;
	s0 =	simm.s32 @!p0 $0x0;
	v9 =	vcvt.s32.f32 v5  }
0xa5: {  	s0 =	sshll.u32 s0, $0x6;
	v4 =	vcvt.s32.f32 v6;
	[tilespmem:s18+$0x80] =	vst v10;
	v10 =	vld [tilespmem:s12+$0x0]  }
0xa6: {  	s31 =	sor.u32 s20, s29;
	s30 =	sadd.s32 $0x6000, s0;
	v7 =	vmul.f32 v8, v3;
	v6 =	vmul.f32 v9, v3  }
0xa7: {  	s19 =	sadd.s32 $0x10, s30;
	s20 =	sadd.s32 $0x20, s30;
	s21 =	sadd.s32 $0x30, s30;
	v5 =	vmul.f32 v9, v0;
	v12 =	vmul.f32 v8, v1  }
0xa8: {  	s11 =	sor.u32 $0x100, s19;
	s10 =	sor.u32 $0x180, s19;
	v11 =	vmul.f32 v8, v2;
	v8 =	vmul.f32 v4, v3;
	[tilespmem:s18+$0x0] =	vst v7;
	s18 =	sor.u32 $0x100, s21  }
0xa9: {  	s1 =	sor.u32 $0x100, s20;
	s0 =	sor.u32 $0x180, s20;
	v7 =	vmul.f32 v9, v1;
	v9 =	vmul.f32 v9, v2;
	s12 =	sor.u32 $0x180, s21;
	[tilespmem:s18+$0x2080] =	vst v12  }
.LBB2_8:
0xaa: {  	s25 =	sadd.s32 $0x40, s25;
	v10 =	vcvt.s32.f32 v10;
	s4 =	sor.u32 $0x100, s30;
	s3 =	sor.u32 $0x180, s30;
	v12 =	vmul.f32 v4, v0;
	[tilespmem:s12+$0x2080] =	vst v11  }
0xab: {  	s12 =	sor.u32 s24, s29;
	s18 =	sor.u32 s26, s29;
	s24 =	sand.u32 $0x40, s25;
	[tilespmem:s31+$0x0] =	vst v6;
	v6 =	vmul.f32 v4, v1;
	v4 =	vmul.f32 v4, v2  }
0xac: {  	s20 =	sand.u32 $0x1F80, s25;
	s19 =	sor.u32 $0x10, s24;
	s21 =	sor.u32 $0x30, s24;
	v11 =	vmul.f32 v10, v3;
	v13 =	vmul.f32 v10, v0;
	[tilespmem:s31+$0x80] =	vst v5  }
0xad: {  	s26 =	sor.u32 $0x20, s24;
	v5 =	vmul.f32 v10, v1;
	v14 =	vmul.f32 v10, v2;
	s29 =	sor.u32 s19, s20;
	s30 =	sor.u32 s21, s20;
	[tilespmem:s11+$0x2080] =	vst v7  }
0xae: {  	p1 =	slt.u32 s25, $0x1FC0;
	s11 =	sor.u32 s26, s20;
	v7 =	vld [tilespmem:s30+$0x0];
	[tilespmem:s10+$0x2080] =	vst v9  }
0xaf: {  	v9 =	vld [tilespmem:s29+$0x0];
	[tilespmem:s18+$0x0] =	vst v8  }
0xb0: {  	v8 =	vld [tilespmem:s11+$0x0];
	[tilespmem:s18+$0x80] =	vst v12  }
0xb1: {  	[tilespmem:s1+$0x2080] =	vst v6  }
0xb2: {  	[tilespmem:s0+$0x2080] =	vst v4  }
0xb3: {  	p0 =	por !p0, !p0;
	s28 =	sadd.s32 $0x100, s28;
	s0 =	simm.s32 $0x1;
	v12 =	vcvt.s32.f32 v7;
	[tilespmem:s12+$0x0] =	vst v11  }
0xb4: {  	s10 =	sand.u32 $0x7E00, s28;
	s1 =	sshra.s32 s28, $0x2;
	s0 =	simm.s32 @!p0 $0x0;
	v9 =	vcvt.s32.f32 v9;
	[tilespmem:s12+$0x80] =	vst v13  }
.Ltmp3:
0xb5: {  	s29 =	sadd.s32 $0x2080, s10;
	s0 =	sshll.u32 s0, $0x6;
	v10 =	vld [tilespmem:s1+$0x0];
	v4 =	vcvt.s32.f32 v8;
	v7 =	vmul.f32 v12, v3;
	[tilespmem:s4+$0x2080] =	vst v5;
	(pc) =	sbr.rel @p1 .LBB2_8-.Ltmp3, $4  }
0xb6: {  	s31 =	sor.u32 s19, s29;
	s30 =	sadd.s32 s28, s0;
	s0 =	sor.u32 s21, s29;
	v8 =	vmul.f32 v12, v0;
	v6 =	vmul.f32 v9, v3;
	[tilespmem:s3+$0x2080] =	vst v14  }
0xb7: {  	v13 =	vmul.f32 v12, v1;
	v5 =	vmul.f32 v9, v0;
	s1 =	sadd.s32 $0x10, s30;
	s3 =	sadd.s32 $0x20, s30;
	s4 =	sadd.s32 $0x30, s30;
	[tilespmem:s0+$0x0] =	vst v7  }
0xb8: {  	v11 =	vmul.f32 v12, v2;
	v7 =	vmul.f32 v9, v1;
	s11 =	sor.u32 $0x100, s1;
	s10 =	sor.u32 $0x180, s1;
	s12 =	sor.u32 $0x100, s4;
	[tilespmem:s0+$0x80] =	vst v8  }
0xb9: {  	v9 =	vmul.f32 v9, v2;
	s1 =	sor.u32 $0x100, s3;
	v8 =	vmul.f32 v4, v3;
	s0 =	sor.u32 $0x180, s3;
	[tilespmem:s12+$0x2080] =	vst v13;
	s12 =	sor.u32 $0x180, s4  }
0xba: {  	[tilespmem:s12+$0x2080] =	vst v11  }
0xbb: {  	[tilespmem:s31+$0x0] =	vst v6  }
0xbc: {  	[tilespmem:s31+$0x80] =	vst v5  }
0xbd: {  	s3 =	sor.u32 s26, s29;
	[tilespmem:s11+$0x2080] =	vst v7  }
0xbe: {  	v57 =	vmul.f32 v4, v0;
	[tilespmem:s3+$0x0] =	vst v8  }
0xbf: {  	v58 =	vcvt.s32.f32 v10;
	v59 =	vmul.f32 v4, v1;
	[tilespmem:s10+$0x2080] =	vst v9  }
0xc0: {  	v60 =	vmul.f32 v4, v2;
	[tilespmem:s3+$0x80] =	vst v57  }
0xc1: {  	v3 =	vmul.f32 v58, v3;
	[tilespmem:s1+$0x2080] =	vst v59  }
0xc2: {  	s28 =	sor.u32 s24, s29;
	v61 =	vmul.f32 v58, v0;
	[tilespmem:s0+$0x2080] =	vst v60  }
0xc3: {  	v62 =	vmul.f32 v58, v1;
	[tilespmem:s28+$0x0] =	vst v3  }
0xc4: {  	s29 =	sor.u32 $0x100, s30;
	v63 =	vmul.f32 v58, v2;
	[tilespmem:s28+$0x80] =	vst v61  }
0xc5: {  	s30 =	sor.u32 $0x180, s30;
	[tilespmem:s29+$0x2080] =	vst v62  }
0xc6: {  	s31 =	simm.s32 $0x8080;
	[tilespmem:s30+$0x2080] =	vst v63  }
0xc7: {  	[hbm4b:s8+s16] =	stream.strided.scatter [tilespmem:s31], [sflag:$0x3], $0x2000, s17, s16, $0x38;
	[tilespmem:$0xA080] =	vst v63  }
0xc8: {  	_ =	swait.ge [sflag:s22], $0x2000  }
0xc9: {  	[sflag:s22] =	ssyncset.done $0x0  }
0xca: {  	[sflag:s22] =	ssyncadd.s32 $0xFFFFE000  }
0xcb: {  	_ =	swait.ge [sflag:s22], $0x2000  }
0xcc: {  	[sflag:s22] =	ssyncset.done $0x0  }
0xcd: {  	s23 =	sadd.s32 $0x1, s23;
	[sflag:s22] =	ssyncadd.s32 $0xFFFFE000  }
0xce: {  	p0 =	sne.s32 s23, s9;
	_ =	swait.ge [sflag:s22], $0x2000  }
.Ltmp4:
0xcf: {  	[sflag:s22] =	ssyncset.done $0x0;
	(pc) =	sbr.rel @p0 .LBB2_1-.Ltmp4, $4  }
0xd0: {  	[sflag:s22] =	ssyncadd.s32 $0xFFFFE000  }
0xd1: {  	_ =	swait.ge [sflag:s22], $0x2000  }
0xd2: {  	[sflag:s22] =	ssyncset.done $0x0  }
0xd3: {  	[sflag:s22] =	ssyncadd.s32 $0xFFFFE000  }
0xd4: {  	_ =	sfence.sel $0x180000  }
0xd5: {  	[bflag:$0x0] =	sbarrier.arrive $0xFFFF  }
0xd6: {  	_ =	strace $0x90000047  }
0xd7: {  	s0 =	stileid.u32;
	[bflag:$0x2] =	sbarrier.arrive $0xFFFF  }
0xd8: {  	p0 =	sne.s32 s0, $0x0;
	s0 =	rddreg [dreg:$0x3]  }
0xd9: {  	s0 =	sadd.s32 @!p0 $0x100000, s0  }
0xda: {  	[sflag:s0] =	ssyncadd.tile.s32 @!p0 $0x1;
	_ =	shalt  }
.Lfunc_end2:
_tile_overlayer_lowered:
.L_overlay_start_2:
0xdb: {  	(tag) =	ssettag $0x2  }
0xdc: {  	s0 =	rddreg [dreg:$0x0];
	s2 =	stileid.u32  }
0xdd: {  	s1 =	rddreg [dreg:$0x1];
	p0 =	sne.s32 s2, $0x0  }
0xde: {  	s3 =	rddreg [dreg:$0x2];
	[bflag:$0x3] =	sbarrier.arrive $0xFFFF;
	s2 =	simm.s32 @!p0 $0x1C04  }
0xdf: {  	[timem:s3], [sflag:s2] =	dma.local @!p0 [hbm:s0], s1  }
0xe0: {  	s0 =	simm.s32 @!p0 $0x4  }
0xe1: {  	_ =	swait.ge @!p0 [sflag:s0], s1  }
0xe2: {  	s1 =	ssub.s32 @!p0 $0x0, s1;
	[sflag:s0] =	ssyncset.done @!p0 $0x0  }
0xe3: {  	[sflag:s0] =	ssyncadd.s32 @!p0 s1  }
0xe4: {  	[bflag:$0x3] =	sbarrier.arrive $0xFFFF  }
0xe5: {  	_ =	shalt  }

</sc_bundles>
